<compile_context>
chip_gen: v7x
topology: tpu7x:2x2x1
jax: 0.10.2.dev20260603
libtpu: 0.0.44.dev20260713+nightly
codegen_flags: <defaults>
</compile_context>

<pallas_src>
import functools

import jax
import jax.numpy as jnp
from jax import lax
from jax.experimental import pallas as pl
from jax.experimental.pallas import tpu as pltpu
from jax.experimental.pallas import tpu_sc as plsc

_SC_PARAMS = pltpu.CompilerParams(needs_layout_passes=False)

NC = 2
NS = 16
NW = NC * NS
LANES = 16

N_PAD = 10240
D = 128
B = 1024


def _sc_hist(dst):
    e_w = dst.shape[0] // NW
    mesh = plsc.VectorSubcoreMesh(core_axis_name="c", subcore_axis_name="s")

    @functools.partial(
        pl.kernel,
        out_type=jax.ShapeDtypeStruct((NW, N_PAD), jnp.float32),
        mesh=mesh,
        compiler_params=_SC_PARAMS,
        scratch_types=[
            pltpu.VMEM((e_w,), jnp.int32),
            pltpu.VMEM((N_PAD,), jnp.float32),
        ],
    )
    def k(dst_hbm, out_hbm, dst_v, hist):
        cid = lax.axis_index("c")
        sid = lax.axis_index("s")
        wid = sid * NC + cid

        def zero_body(i, carry):
            hist[pl.ds(i * LANES, LANES)] = jnp.zeros((LANES,), jnp.float32)
            return carry

        lax.fori_loop(0, N_PAD // LANES, zero_body, 0)
        pltpu.sync_copy(dst_hbm.at[pl.ds(wid * e_w, e_w)], dst_v)
        ones = jnp.ones((LANES,), jnp.float32)

        def body(i, carry):
            idx = dst_v[pl.ds(i * LANES, LANES)]
            plsc.addupdate_scatter(hist, [idx], ones)
            return carry

        lax.fori_loop(0, e_w // LANES, body, 0)
        pltpu.sync_copy(hist, out_hbm.at[wid])

    return k(dst)


K = 64

E_W0 = 13184
E_W1 = 6848
E_W_MAX = max(E_W0, E_W1)
E_CAP = NS * (E_W0 + E_W1)
E_ARR = E_CAP + (E_W_MAX - min(E_W0, E_W1))


def _sc_agg(hp, src3, dst3):
    rows_t = N_PAD // NS
    mesh = plsc.VectorSubcoreMesh(core_axis_name="c", subcore_axis_name="s")

    @functools.partial(
        pl.kernel,
        out_type=jax.ShapeDtypeStruct((NC, N_PAD, D), jnp.float32),
        mesh=mesh,
        compiler_params=_SC_PARAMS,
        scratch_types=[
            pltpu.VMEM_SHARED((N_PAD, D), jnp.float32),
            pltpu.VMEM((E_W_MAX,), jnp.int32),
            pltpu.VMEM((E_W_MAX // 2,), jnp.int32),
            pltpu.VMEM((3, K, D), jnp.float32),
            pltpu.VMEM((3, 1, K), jnp.int32),
            pltpu.SemaphoreType.DMA((3,)),
            pltpu.SemaphoreType.DMA((3,)),
        ],
    )
    def k(hp_hbm, src_hbm, dst_hbm, out_hbm, acc, src_v, dst_v, rows, dbuf,
          gsem, ssem):
        cid = lax.axis_index("c")
        sid = lax.axis_index("s")
        r0 = sid * rows_t
        base = pl.multiple_of(
            jnp.where(cid == 0, sid * E_W0, NS * E_W0 + sid * E_W1), 16)
        n_chunks = jnp.where(cid == 0, E_W0 // K, E_W1 // K)
        pltpu.sync_copy(src_hbm.at[pl.ds(base, E_W_MAX)], src_v)
        pltpu.sync_copy(
            dst_hbm.at[pl.ds(pl.multiple_of(base // 2, 8), E_W_MAX // 2)],
            dst_v)
        pltpu.sync_copy(hp_hbm.at[pl.ds(r0, rows_t)], acc.at[pl.ds(r0, rows_t)])
        plsc.subcore_barrier()

        def fire_g(j, par):
            pltpu.async_copy(hp_hbm.at[src_v.at[pl.ds(j * K, K)]],
                             rows.at[par], gsem.at[par])

        def wait_g(j, par):
            pltpu.make_async_copy(hp_hbm.at[src_v.at[pl.ds(j * K, K)]],
                                  rows.at[par], gsem.at[par]).wait()

        def fire_s(par):
            pltpu.async_copy(rows.at[par], acc.at[dbuf.at[par, 0]],
                             ssem.at[par], add=True)

        def wait_s(par):
            pltpu.make_async_copy(rows.at[par], acc.at[dbuf.at[par, 0]],
                                  ssem.at[par]).wait()

        fire_g(0, 0)
        fire_g(1, 1)

        def body(j, carry):
            par, par1, par2 = carry

            wait_g(j, par)

            @pl.when(j > 0)
            def _():
                wait_s(par2)

            @pl.when(j < n_chunks - 2)
            def _():
                fire_g(j + 2, par2)

            for i in range(K // (2 * LANES)):
                ab32 = dst_v[pl.ds(j * (K // 2) + i * LANES, LANES)]
                ab = plsc.bitcast(ab32, jnp.int16)
                a, b = plsc.unpack(ab, format=plsc.PackFormat.INTERLEAVED,
                                   preferred_element_type=jnp.int32)
                dbuf[par, 0, pl.ds(i * 2 * LANES, LANES)] = a
                dbuf[par, 0, pl.ds(i * 2 * LANES + LANES, LANES)] = b
            fire_s(par)
            return (par1, par2, par)

        last = lax.fori_loop(0, n_chunks, body,
                             (jnp.int32(0), jnp.int32(1), jnp.int32(2)))
        wait_s(last[2])

        plsc.subcore_barrier()
        pltpu.sync_copy(acc.at[pl.ds(r0, rows_t)],
                        out_hbm.at[cid, pl.ds(r0, rows_t)])

    return k(hp, src3, dst3)


def _tc1(x_pad, W1, hist):
    def body(hist_ref, x_ref, w_ref, h1p_ref, dinv_ref):
        deg = jnp.sum(hist_ref[...], axis=0, keepdims=True) + 1.0
        dinv_col = lax.rsqrt(deg).reshape(B, 1)
        h = jnp.dot(x_ref[...], w_ref[...], preferred_element_type=jnp.float32)
        h1p_ref[...] = dinv_col * h
        dinv_ref[...] = dinv_col

    return pl.pallas_call(
        body,
        grid=(N_PAD // B,),
        in_specs=[
            pl.BlockSpec((NW, B), lambda i: (0, i)),
            pl.BlockSpec((B, D), lambda i: (i, 0)),
            pl.BlockSpec((D, D), lambda i: (0, 0)),
        ],
        out_specs=[
            pl.BlockSpec((B, D), lambda i: (i, 0)),
            pl.BlockSpec((B, 1), lambda i: (i, 0)),
        ],
        out_shape=[
            jax.ShapeDtypeStruct((N_PAD, D), jnp.float32),
            jax.ShapeDtypeStruct((N_PAD, 1), jnp.float32),
        ],
    )(hist, x_pad, W1)


def _tc2(p0, p1, h1p, dinv, b1, W2):
    def body(p0_ref, p1_ref, h1p_ref, dinv_ref, b_ref, w_ref, h2p_ref):
        dinv_col = dinv_ref[...]
        z = dinv_col * (p0_ref[...] + p1_ref[...] - h1p_ref[...]) + b_ref[...]
        z = jnp.maximum(z, 0.0)
        h = jnp.dot(z, w_ref[...], preferred_element_type=jnp.float32)
        h2p_ref[...] = dinv_col * h

    return pl.pallas_call(
        body,
        grid=(N_PAD // B,),
        in_specs=[
            pl.BlockSpec((B, D), lambda i: (i, 0)),
            pl.BlockSpec((B, D), lambda i: (i, 0)),
            pl.BlockSpec((B, D), lambda i: (i, 0)),
            pl.BlockSpec((B, 1), lambda i: (i, 0)),
            pl.BlockSpec((1, D), lambda i: (0, 0)),
            pl.BlockSpec((D, D), lambda i: (0, 0)),
        ],
        out_specs=pl.BlockSpec((B, D), lambda i: (i, 0)),
        out_shape=jax.ShapeDtypeStruct((N_PAD, D), jnp.float32),
    )(p0, p1, h1p, dinv, b1, W2)


def _tc3(p0, p1, h2p, dinv, b2):
    def body(p0_ref, p1_ref, h2p_ref, dinv_ref, b_ref, out_ref):
        out_ref[...] = (dinv_ref[...]
                        * (p0_ref[...] + p1_ref[...] - h2p_ref[...])
                        + b_ref[...])

    return pl.pallas_call(
        body,
        grid=(N_PAD // B,),
        in_specs=[
            pl.BlockSpec((B, D), lambda i: (i, 0)),
            pl.BlockSpec((B, D), lambda i: (i, 0)),
            pl.BlockSpec((B, D), lambda i: (i, 0)),
            pl.BlockSpec((B, 1), lambda i: (i, 0)),
            pl.BlockSpec((1, D), lambda i: (0, 0)),
        ],
        out_specs=pl.BlockSpec((B, D), lambda i: (i, 0)),
        out_shape=jax.ShapeDtypeStruct((N_PAD, D), jnp.float32),
    )(p0, p1, h2p, dinv, b2)


def kernel(x, edge_index, W1, b1, W2, b2):
    n = x.shape[0]
    ei = edge_index.astype(jnp.int32)
    src, dst = ei[0], ei[1]
    pad = jnp.full((E_ARR - src.shape[0],), N_PAD - 1, jnp.int32)
    src3 = jnp.concatenate([src, pad])
    d = jnp.concatenate([dst, pad]).reshape(-1, 2, LANES)
    dst3 = (d[:, 0] | (d[:, 1] << 16)).reshape(-1)
    x_pad = jnp.pad(x.astype(jnp.float32), ((0, N_PAD - n), (0, 0)))

    hist = _sc_hist(dst)
    h1p, dinv = _tc1(x_pad, W1.astype(jnp.float32), hist)
    p = _sc_agg(h1p, src3, dst3)
    h2p = _tc2(p[0], p[1], h1p, dinv, b1.reshape(1, D), W2.astype(jnp.float32))
    p2 = _sc_agg(h2p, src3, dst3)
    out = _tc3(p2[0], p2[1], h2p, dinv, b2.reshape(1, D))
    return out[:n]

# --- scband reference (transcript-rebuilt; emitter-appended) ---
"""Pipeline reference for scband-simple-gcn-57896159150317 (READ-ONLY COPY).

The authoritative reference and input builder live on the scoring server;
editing this copy changes nothing except your own understanding.
"""

import jax, jax.numpy as jnp
import numpy as np

N_NODES = 10000
N_EDGES = 320000
IN_DIM = 128
HIDDEN_DIM = 128
OUT_DIM = 128


def _gcn_conv(x, src, dst, n, W, b):
    # PyG GCNConv default: add self-loops, symmetric normalization
    loop = jnp.arange(n, dtype=src.dtype)
    src_full = jnp.concatenate([src, loop])
    dst_full = jnp.concatenate([dst, loop])
    # linear transform first (PyG applies lin before propagate)
    h = x @ W
    # degree computed on destination (col) with unit edge weights, incl. self-loops
    deg = jnp.zeros((n,), dtype=h.dtype).at[dst_full].add(1.0)
    deg_inv_sqrt = jnp.where(deg > 0, jax.lax.rsqrt(deg), 0.0)
    norm = deg_inv_sqrt[src_full] * deg_inv_sqrt[dst_full]
    msg = h[src_full] * norm[:, None]
    out = jnp.zeros((n, h.shape[1]), dtype=h.dtype).at[dst_full].add(msg)
    return out + b


def setup_inputs(seed: int = 0) -> dict:
    key = jax.random.key(seed)
    k1, k2, k3, k4 = jax.random.split(key, 4)
    x = jax.random.normal(k1, (N_NODES, IN_DIM), dtype=jnp.float32)
    edge_index = jax.random.randint(k2, (2, N_EDGES), 0, N_NODES, dtype=jnp.int64)
    # Glorot-style init for GCN layer weights
    s1 = float(np.sqrt(6.0 / (IN_DIM + HIDDEN_DIM)))
    s2 = float(np.sqrt(6.0 / (HIDDEN_DIM + OUT_DIM)))
    W1 = jax.random.uniform(k3, (IN_DIM, HIDDEN_DIM), dtype=jnp.float32, minval=-s1, maxval=s1)
    W2 = jax.random.uniform(k4, (HIDDEN_DIM, OUT_DIM), dtype=jnp.float32, minval=-s2, maxval=s2)
    b1 = jnp.zeros((HIDDEN_DIM,), dtype=jnp.float32)
    b2 = jnp.zeros((OUT_DIM,), dtype=jnp.float32)
    return {"x": x, "edge_index": edge_index, "W1": W1, "b1": b1, "W2": W2, "b2": b2}


def reference(x, edge_index, W1, b1, W2, b2):
    n = x.shape[0]
    src, dst = edge_index[0], edge_index[1]
    h = _gcn_conv(x, src, dst, n, W1, b1)
    h = jax.nn.relu(h)
    out = _gcn_conv(h, src, dst, n, W2, b2)
    return out

if __name__ == "__main__":
    import jax
    _d = setup_inputs()
    print(jax.jit(kernel)(*tuple(_d.values())))

</pallas_src>

<mosaic_0001>
#map = affine_map<(d0, d1) -> (0)>
#map1 = affine_map<(d0, d1) -> (0, 0)>
module attributes {stable_mosaic.version = 14 : i64} {
  func.func @k(%arg0: i32, %arg1: i32, %arg2: memref<320000xi32, #tpu.memory_space<hbm>>, %arg3: memref<32x10240xf32, #tpu.memory_space<hbm>>, %arg4: memref<10000xi32, #tpu.memory_space<vmem>>, %arg5: memref<10240xf32, #tpu.memory_space<vmem>>) attributes {dimension_semantics = [#tpu.dimension_semantics<core_parallel>, #tpu.dimension_semantics<subcore_parallel>], iteration_bounds = array<i64: 2, 16>, scalar_prefetch = 0 : i64, scratch_operands = 2 : i64, tpu.core_type = #tpu.core_type<sc_vector_subcore>, window_params = [{transform_indices = #map}, {transform_indices = #map1}]} {
    %mul3A = arith.constant 2 : i32
    %mul3A_0 = arith.muli %arg1, %mul3A : i32
    %add3A = arith.addi %mul3A_0, %arg0 : i32
    %scan3A = arith.constant 0 : i32
    %scan3A_1 = arith.constant 0 : i32
    %scan3A_2 = arith.constant 640 : i32
    %scan3A_3 = arith.addi %scan3A_1, %scan3A_2 : i32
    %scan3A_4 = arith.constant 1 : i32
    scf.for %scan3A_15 = %scan3A_1 to %scan3A_3 step %scan3A_4  : i32 {
      %broadcast_in_dim3A_16 = arith.constant 0.000000e+00 : f32
      %broadcast_in_dim3A_17 = vector.broadcast %broadcast_in_dim3A_16 : f32 to vector<16xf32>
      %mul3A_18 = arith.constant 16 : i32
      %mul3A_19 = arith.muli %scan3A_15, %mul3A_18 : i32
      %swap3A = arith.index_cast %mul3A_19 : i32 to index
      %swap3A_20 = tpu.vector_load %arg5[%swap3A] {strides = array<i32>} : memref<10240xf32, #tpu.memory_space<vmem>>, vector<16xf32>,
      tpu.vector_store %arg5[%swap3A], %broadcast_in_dim3A_17 {strides = array<i32>} : memref<10240xf32, #tpu.memory_space<vmem>>, vector<16xf32>,
    }
    %scan3A_5 = arith.constant 640 : i32
    %mul3A_6 = arith.constant 10000 : i32
    %mul3A_7 = arith.muli %add3A, %mul3A_6 : i32
    "tpu.region"() ({
      %run_scoped3A = tpu.sem_alloc : memref<!tpu.dma_semaphore, #tpu.memory_space<semaphore_mem>>
      %dma_start3A = tpu.memref_slice %arg2[%mul3A_7] : memref<320000xi32, #tpu.memory_space<hbm>> -> memref<10000xi32, #tpu.memory_space<hbm>>
      %dma_start3A_15 = tpu.memref_slice %arg2[%mul3A_7] : memref<320000xi32, #tpu.memory_space<hbm>> -> memref<10000xi32, #tpu.memory_space<hbm>>
      tpu.enqueue_dma source(%dma_start3A_15 : memref<10000xi32, #tpu.memory_space<hbm>>) target(%arg4 : memref<10000xi32, #tpu.memory_space<vmem>>) target_semaphore(%run_scoped3A : memref<!tpu.dma_semaphore, #tpu.memory_space<semaphore_mem>>)
      %dma_wait3A = tpu.memref_slice %arg2[%mul3A_7] : memref<320000xi32, #tpu.memory_space<hbm>> -> memref<10000xi32, #tpu.memory_space<hbm>>
      %dma_wait3A_16 = tpu.memref_slice %arg2[%mul3A_7] : memref<320000xi32, #tpu.memory_space<hbm>> -> memref<10000xi32, #tpu.memory_space<hbm>>
      tpu.wait_dma2 semaphore(%run_scoped3A : memref<!tpu.dma_semaphore, #tpu.memory_space<semaphore_mem>>) src(%dma_wait3A_16 : memref<10000xi32, #tpu.memory_space<hbm>>) dst(%arg4 : memref<10000xi32, #tpu.memory_space<vmem>>)
      tpu.yield
    }) : () -> ()
    %broadcast_in_dim3A = arith.constant 1.000000e+00 : f32
    %broadcast_in_dim3A_8 = vector.broadcast %broadcast_in_dim3A : f32 to vector<16xf32>
    %scan3A_9 = arith.constant 0 : i32
    %scan3A_10 = arith.constant 0 : i32
    %scan3A_11 = arith.constant 625 : i32
    %scan3A_12 = arith.addi %scan3A_10, %scan3A_11 : i32
    %scan3A_13 = arith.constant 1 : i32
    scf.for %scan3A_15 = %scan3A_10 to %scan3A_12 step %scan3A_13  : i32 {
      %mul3A_16 = arith.constant 16 : i32
      %mul3A_17 = arith.muli %scan3A_15, %mul3A_16 : i32
      %get3A = arith.index_cast %mul3A_17 : i32 to index
      %get3A_18 = tpu.vector_load %arg4[%get3A] {strides = array<i32>} : memref<10000xi32, #tpu.memory_space<vmem>>, vector<16xi32>,
      tpu.vector_store_idx %arg5[%get3A_18], %broadcast_in_dim3A_8 {add = true} : memref<10240xf32, #tpu.memory_space<vmem>>[vector<16xi32>], vector<16xf32>,
    }
    %scan3A_14 = arith.constant 625 : i32
    "tpu.region"() ({
      %run_scoped3A = tpu.sem_alloc : memref<!tpu.dma_semaphore, #tpu.memory_space<semaphore_mem>>
      %dma_start3A = arith.constant 0 : i32
      %dma_start3A_15 = tpu.memref_slice %arg3[%add3A, %dma_start3A] : memref<32x10240xf32, #tpu.memory_space<hbm>> -> memref<1x10240xf32, #tpu.memory_space<hbm>>
      %dma_start3A_16 = tpu.memref_squeeze %dma_start3A_15 : memref<1x10240xf32, #tpu.memory_space<hbm>> -> memref<10240xf32, #tpu.memory_space<hbm>>
      %dma_start3A_17 = arith.constant 0 : i32
      %dma_start3A_18 = tpu.memref_slice %arg3[%add3A, %dma_start3A_17] : memref<32x10240xf32, #tpu.memory_space<hbm>> -> memref<1x10240xf32, #tpu.memory_space<hbm>>
      %dma_start3A_19 = tpu.memref_squeeze %dma_start3A_18 : memref<1x10240xf32, #tpu.memory_space<hbm>> -> memref<10240xf32, #tpu.memory_space<hbm>>
      tpu.enqueue_dma source(%arg5 : memref<10240xf32, #tpu.memory_space<vmem>>) target(%dma_start3A_19 : memref<10240xf32, #tpu.memory_space<hbm>>) target_semaphore(%run_scoped3A : memref<!tpu.dma_semaphore, #tpu.memory_space<semaphore_mem>>)
      %dma_wait3A = arith.constant 0 : i32
      %dma_wait3A_20 = tpu.memref_slice %arg3[%add3A, %dma_wait3A] : memref<32x10240xf32, #tpu.memory_space<hbm>> -> memref<1x10240xf32, #tpu.memory_space<hbm>>
      %dma_wait3A_21 = tpu.memref_squeeze %dma_wait3A_20 : memref<1x10240xf32, #tpu.memory_space<hbm>> -> memref<10240xf32, #tpu.memory_space<hbm>>
      %dma_wait3A_22 = arith.constant 0 : i32
      %dma_wait3A_23 = tpu.memref_slice %arg3[%add3A, %dma_wait3A_22] : memref<32x10240xf32, #tpu.memory_space<hbm>> -> memref<1x10240xf32, #tpu.memory_space<hbm>>
      %dma_wait3A_24 = tpu.memref_squeeze %dma_wait3A_23 : memref<1x10240xf32, #tpu.memory_space<hbm>> -> memref<10240xf32, #tpu.memory_space<hbm>>
      tpu.wait_dma2 semaphore(%run_scoped3A : memref<!tpu.dma_semaphore, #tpu.memory_space<semaphore_mem>>) src(%arg5 : memref<10240xf32, #tpu.memory_space<vmem>>) dst(%dma_wait3A_24 : memref<10240xf32, #tpu.memory_space<hbm>>)
      tpu.yield
    }) : () -> ()
    return
  }
}

#map = affine_map<(d0, d1) -> (0, 0)>
#map1 = affine_map<(d0, d1) -> (0)>
#map2 = affine_map<(d0, d1) -> (0, 0, 0)>
module attributes {stable_mosaic.version = 14 : i64} {
  func.func @k(%arg0: i32, %arg1: i32, %arg2: memref<10240x128xf32, #tpu.memory_space<hbm>>, %arg3: memref<326848xi32, #tpu.memory_space<hbm>>, %arg4: memref<163424xi32, #tpu.memory_space<hbm>>, %arg5: memref<2x10240x128xf32, #tpu.memory_space<hbm>>, %arg6: memref<10240x128xf32, #tpu.memory_space<vmem_shared>>, %arg7: memref<13184xi32, #tpu.memory_space<vmem>>, %arg8: memref<6592xi32, #tpu.memory_space<vmem>>, %arg9: memref<3x64x128xf32, #tpu.memory_space<vmem>>, %arg10: memref<3x1x64xi32, #tpu.memory_space<vmem>>, %arg11: memref<3x!tpu.dma_semaphore, #tpu.memory_space<semaphore_mem>>, %arg12: memref<3x!tpu.dma_semaphore, #tpu.memory_space<semaphore_mem>>) attributes {dimension_semantics = [#tpu.dimension_semantics<core_parallel>, #tpu.dimension_semantics<subcore_parallel>], iteration_bounds = array<i64: 2, 16>, scalar_prefetch = 0 : i64, scratch_operands = 7 : i64, tpu.core_type = #tpu.core_type<sc_vector_subcore>, window_params = [{transform_indices = #map}, {transform_indices = #map1}, {transform_indices = #map1}, {transform_indices = #map2}]} {
    %mul3A = arith.constant 640 : i32
    %mul3A_0 = arith.muli %arg1, %mul3A : i32
    %eq3A = arith.constant 0 : i32
    %eq3A_1 = arith.cmpi eq, %arg0, %eq3A : i32
    %mul3A_2 = arith.constant 13184 : i32
    %mul3A_3 = arith.muli %arg1, %mul3A_2 : i32
    %mul3A_4 = arith.constant 6848 : i32
    %mul3A_5 = arith.muli %arg1, %mul3A_4 : i32
    %add3A = arith.constant 210944 : i32
    %add3A_6 = arith.addi %add3A, %mul3A_5 : i32
    %select_n3A = arith.select %eq3A_1, %mul3A_3, %add3A_6 : i32
    %multiple_of3A = tpu.assume_multiple %select_n3A, 16 : i32
    %eq3A_7 = arith.constant 0 : i32
    %eq3A_8 = arith.cmpi eq, %arg0, %eq3A_7 : i32
    %jit3A = arith.constant 206 : i32
    %jit3A_9 = arith.constant 107 : i32
    %select_n3A_10 = arith.select %eq3A_8, %jit3A, %jit3A_9 : i32
    "tpu.region"() ({
      %run_scoped3A = tpu.sem_alloc : memref<!tpu.dma_semaphore, #tpu.memory_space<semaphore_mem>>
      %dma_start3A_81 = tpu.memref_slice %arg3[%multiple_of3A] : memref<326848xi32, #tpu.memory_space<hbm>> -> memref<13184xi32, #tpu.memory_space<hbm>>
      %dma_start3A_82 = tpu.memref_slice %arg3[%multiple_of3A] : memref<326848xi32, #tpu.memory_space<hbm>> -> memref<13184xi32, #tpu.memory_space<hbm>>
      tpu.enqueue_dma source(%dma_start3A_82 : memref<13184xi32, #tpu.memory_space<hbm>>) target(%arg7 : memref<13184xi32, #tpu.memory_space<vmem>>) target_semaphore(%run_scoped3A : memref<!tpu.dma_semaphore, #tpu.memory_space<semaphore_mem>>)
      %dma_wait3A_83 = tpu.memref_slice %arg3[%multiple_of3A] : memref<326848xi32, #tpu.memory_space<hbm>> -> memref<13184xi32, #tpu.memory_space<hbm>>
      %dma_wait3A_84 = tpu.memref_slice %arg3[%multiple_of3A] : memref<326848xi32, #tpu.memory_space<hbm>> -> memref<13184xi32, #tpu.memory_space<hbm>>
      tpu.wait_dma2 semaphore(%run_scoped3A : memref<!tpu.dma_semaphore, #tpu.memory_space<semaphore_mem>>) src(%dma_wait3A_84 : memref<13184xi32, #tpu.memory_space<hbm>>) dst(%arg7 : memref<13184xi32, #tpu.memory_space<vmem>>)
      tpu.yield
    }) : () -> ()
    %jit3A_11 = arith.constant 2 : i32
    %div3A = arith.divsi %multiple_of3A, %jit3A_11 : i32
    %sign3A = arith.constant 0 : i32
    %sign3A_12 = arith.cmpi sgt, %multiple_of3A, %sign3A : i32
    %sign3A_13 = arith.extui %sign3A_12 : i1 to i32
    %sign3A_14 = arith.constant 0 : i32
    %sign3A_15 = arith.cmpi slt, %multiple_of3A, %sign3A_14 : i32
    %sign3A_16 = arith.extui %sign3A_15 : i1 to i32
    %sign3A_17 = arith.subi %sign3A_13, %sign3A_16 : i32
    %sign3A_18 = arith.constant 0 : i32
    %sign3A_19 = arith.cmpi sgt, %jit3A_11, %sign3A_18 : i32
    %sign3A_20 = arith.extui %sign3A_19 : i1 to i32
    %sign3A_21 = arith.constant 0 : i32
    %sign3A_22 = arith.cmpi slt, %jit3A_11, %sign3A_21 : i32
    %sign3A_23 = arith.extui %sign3A_22 : i1 to i32
    %sign3A_24 = arith.subi %sign3A_20, %sign3A_23 : i32
    %ne3A = arith.cmpi ne, %sign3A_17, %sign3A_24 : i32
    %rem3A = arith.remsi %multiple_of3A, %jit3A_11 : i32
    %ne3A_25 = arith.constant 0 : i32
    %ne3A_26 = arith.cmpi ne, %rem3A, %ne3A_25 : i32
    %and3A = arith.andi %ne3A, %ne3A_26 : i1
    %sub3A = arith.constant 1 : i32
    %sub3A_27 = arith.subi %div3A, %sub3A : i32
    %select_n3A_28 = arith.select %and3A, %sub3A_27, %div3A : i32
    %multiple_of3A_29 = tpu.assume_multiple %select_n3A_28, 8 : i32
    "tpu.region"() ({
      %run_scoped3A = tpu.sem_alloc : memref<!tpu.dma_semaphore, #tpu.memory_space<semaphore_mem>>
      %dma_start3A_81 = tpu.memref_slice %arg4[%multiple_of3A_29] : memref<163424xi32, #tpu.memory_space<hbm>> -> memref<6592xi32, #tpu.memory_space<hbm>>
      %dma_start3A_82 = tpu.memref_slice %arg4[%multiple_of3A_29] : memref<163424xi32, #tpu.memory_space<hbm>> -> memref<6592xi32, #tpu.memory_space<hbm>>
      tpu.enqueue_dma source(%dma_start3A_82 : memref<6592xi32, #tpu.memory_space<hbm>>) target(%arg8 : memref<6592xi32, #tpu.memory_space<vmem>>) target_semaphore(%run_scoped3A : memref<!tpu.dma_semaphore, #tpu.memory_space<semaphore_mem>>)
      %dma_wait3A_83 = tpu.memref_slice %arg4[%multiple_of3A_29] : memref<163424xi32, #tpu.memory_space<hbm>> -> memref<6592xi32, #tpu.memory_space<hbm>>
      %dma_wait3A_84 = tpu.memref_slice %arg4[%multiple_of3A_29] : memref<163424xi32, #tpu.memory_space<hbm>> -> memref<6592xi32, #tpu.memory_space<hbm>>
      tpu.wait_dma2 semaphore(%run_scoped3A : memref<!tpu.dma_semaphore, #tpu.memory_space<semaphore_mem>>) src(%dma_wait3A_84 : memref<6592xi32, #tpu.memory_space<hbm>>) dst(%arg8 : memref<6592xi32, #tpu.memory_space<vmem>>)
      tpu.yield
    }) : () -> ()
    "tpu.region"() ({
      %run_scoped3A = tpu.sem_alloc : memref<!tpu.dma_semaphore, #tpu.memory_space<semaphore_mem>>
      %dma_start3A_81 = arith.constant 0 : i32
      %dma_start3A_82 = tpu.memref_slice %arg6[%mul3A_0, %dma_start3A_81] : memref<10240x128xf32, #tpu.memory_space<vmem_shared>> -> memref<640x128xf32, #tpu.memory_space<vmem_shared>>
      %dma_start3A_83 = arith.constant 0 : i32
      %dma_start3A_84 = tpu.memref_slice %arg2[%mul3A_0, %dma_start3A_83] : memref<10240x128xf32, #tpu.memory_space<hbm>> -> memref<640x128xf32, #tpu.memory_space<hbm>>
      tpu.enqueue_dma source(%dma_start3A_84 : memref<640x128xf32, #tpu.memory_space<hbm>>) target(%dma_start3A_82 : memref<640x128xf32, #tpu.memory_space<vmem_shared>>) target_semaphore(%run_scoped3A : memref<!tpu.dma_semaphore, #tpu.memory_space<semaphore_mem>>)
      %dma_wait3A_85 = arith.constant 0 : i32
      %dma_wait3A_86 = tpu.memref_slice %arg6[%mul3A_0, %dma_wait3A_85] : memref<10240x128xf32, #tpu.memory_space<vmem_shared>> -> memref<640x128xf32, #tpu.memory_space<vmem_shared>>
      %dma_wait3A_87 = arith.constant 0 : i32
      %dma_wait3A_88 = tpu.memref_slice %arg2[%mul3A_0, %dma_wait3A_87] : memref<10240x128xf32, #tpu.memory_space<hbm>> -> memref<640x128xf32, #tpu.memory_space<hbm>>
      tpu.wait_dma2 semaphore(%run_scoped3A : memref<!tpu.dma_semaphore, #tpu.memory_space<semaphore_mem>>) src(%dma_wait3A_88 : memref<640x128xf32, #tpu.memory_space<hbm>>) dst(%dma_wait3A_86 : memref<640x128xf32, #tpu.memory_space<vmem_shared>>)
      tpu.yield
    }) : () -> ()
    %barrier3A = arith.constant 0 : index
    tpu.barrier barrier_id(%barrier3A)
    %dma_start3A = arith.constant 0 : i32
    %dma_start3A_30 = arith.constant 0 : i32
    %dma_start3A_31 = arith.constant 0 : i32
    %dma_start3A_32 = arith.constant 0 : i32
    %dma_start3A_33 = tpu.memref_slice %arg9[%dma_start3A, %dma_start3A_31, %dma_start3A_32] : memref<3x64x128xf32, #tpu.memory_space<vmem>> -> memref<1x64x128xf32, #tpu.memory_space<vmem>>
    %dma_start3A_34 = tpu.memref_squeeze %dma_start3A_33 : memref<1x64x128xf32, #tpu.memory_space<vmem>> -> memref<64x128xf32, #tpu.memory_space<vmem>>
    %dma_start3A_35 = arith.constant 0 : i32
    %dma_start3A_36 = tpu.memref_slice %arg7[%dma_start3A_35] : memref<13184xi32, #tpu.memory_space<vmem>> -> memref<64xi32, #tpu.memory_space<vmem>>
    %dma_start3A_37 = arith.constant 0 : i32
    %dma_start3A_38 = arith.constant 0 : i32
    %dma_start3A_39 = tpu.memref_slice %arg2[%dma_start3A_37, %dma_start3A_38] : memref<10240x128xf32, #tpu.memory_space<hbm>> -> memref<10240x128xf32, #tpu.memory_space<hbm>>
    %dma_start3A_40 = tpu.memref_slice %arg11[%dma_start3A_30] : memref<3x!tpu.dma_semaphore, #tpu.memory_space<semaphore_mem>> -> memref<1x!tpu.dma_semaphore, #tpu.memory_space<semaphore_mem>>
    %dma_start3A_41 = tpu.memref_squeeze %dma_start3A_40 : memref<1x!tpu.dma_semaphore, #tpu.memory_space<semaphore_mem>> -> memref<!tpu.dma_semaphore, #tpu.memory_space<semaphore_mem>>
    tpu.enqueue_indirect_dma source(%dma_start3A_39 : memref<10240x128xf32, #tpu.memory_space<hbm>>) target(%dma_start3A_34 : memref<64x128xf32, #tpu.memory_space<vmem>>) offsets(%dma_start3A_36 : memref<64xi32, #tpu.memory_space<vmem>>) semaphore(%dma_start3A_41 : memref<!tpu.dma_semaphore, #tpu.memory_space<semaphore_mem>>)
    %dma_start3A_42 = arith.constant 1 : i32
    %dma_start3A_43 = arith.constant 1 : i32
    %dma_start3A_44 = arith.constant 0 : i32
    %dma_start3A_45 = arith.constant 0 : i32
    %dma_start3A_46 = tpu.memref_slice %arg9[%dma_start3A_42, %dma_start3A_44, %dma_start3A_45] : memref<3x64x128xf32, #tpu.memory_space<vmem>> -> memref<1x64x128xf32, #tpu.memory_space<vmem>>
    %dma_start3A_47 = tpu.memref_squeeze %dma_start3A_46 : memref<1x64x128xf32, #tpu.memory_space<vmem>> -> memref<64x128xf32, #tpu.memory_space<vmem>>
    %dma_start3A_48 = arith.constant 64 : i32
    %dma_start3A_49 = tpu.memref_slice %arg7[%dma_start3A_48] : memref<13184xi32, #tpu.memory_space<vmem>> -> memref<64xi32, #tpu.memory_space<vmem>>
    %dma_start3A_50 = arith.constant 0 : i32
    %dma_start3A_51 = arith.constant 0 : i32
    %dma_start3A_52 = tpu.memref_slice %arg2[%dma_start3A_50, %dma_start3A_51] : memref<10240x128xf32, #tpu.memory_space<hbm>> -> memref<10240x128xf32, #tpu.memory_space<hbm>>
    %dma_start3A_53 = tpu.memref_slice %arg11[%dma_start3A_43] : memref<3x!tpu.dma_semaphore, #tpu.memory_space<semaphore_mem>> -> memref<1x!tpu.dma_semaphore, #tpu.memory_space<semaphore_mem>>
    %dma_start3A_54 = tpu.memref_squeeze %dma_start3A_53 : memref<1x!tpu.dma_semaphore, #tpu.memory_space<semaphore_mem>> -> memref<!tpu.dma_semaphore, #tpu.memory_space<semaphore_mem>>
    tpu.enqueue_indirect_dma source(%dma_start3A_52 : memref<10240x128xf32, #tpu.memory_space<hbm>>) target(%dma_start3A_47 : memref<64x128xf32, #tpu.memory_space<vmem>>) offsets(%dma_start3A_49 : memref<64xi32, #tpu.memory_space<vmem>>) semaphore(%dma_start3A_54 : memref<!tpu.dma_semaphore, #tpu.memory_space<semaphore_mem>>)
    %while3A = arith.constant 0 : i32
    %while3A_55 = arith.constant 0 : i32
    %while3A_56 = arith.constant 1 : i32
    %while3A_57 = arith.constant 2 : i32
    %while3A_58 = arith.subi %select_n3A_10, %while3A : i32
    %while3A_59 = arith.addi %while3A, %while3A_58 : i32
    %while3A_60 = arith.constant 1 : i32
    %while3A_61 = arith.divsi %while3A_58, %while3A_60 : i32
    %while3A_62 = arith.muli %while3A_61, %while3A_60 : i32
    %while3A_63 = arith.addi %while3A, %while3A_62 : i32
    %while3A_64 = arith.constant 1 : i32
    %while3A_65:3 = scf.for %while3A_81 = %while3A to %while3A_63 step %while3A_64 iter_args(%while3A_82 = %while3A_55, %while3A_83 = %while3A_56, %while3A_84 = %while3A_57) -> (i32, i32, i32)  : i32 {
      %mul3A_85 = arith.constant 64 : i32
      %mul3A_86 = arith.muli %while3A_81, %mul3A_85 : i32
      %dma_wait3A_87 = arith.constant 0 : i32
      %dma_wait3A_88 = arith.constant 0 : i32
      %dma_wait3A_89 = tpu.memref_slice %arg9[%while3A_82, %dma_wait3A_87, %dma_wait3A_88] : memref<3x64x128xf32, #tpu.memory_space<vmem>> -> memref<1x64x128xf32, #tpu.memory_space<vmem>>
      %dma_wait3A_90 = tpu.memref_squeeze %dma_wait3A_89 : memref<1x64x128xf32, #tpu.memory_space<vmem>> -> memref<64x128xf32, #tpu.memory_space<vmem>>
      %dma_wait3A_91 = tpu.memref_slice %arg7[%mul3A_86] : memref<13184xi32, #tpu.memory_space<vmem>> -> memref<64xi32, #tpu.memory_space<vmem>>
      %dma_wait3A_92 = arith.constant 0 : i32
      %dma_wait3A_93 = arith.constant 0 : i32
      %dma_wait3A_94 = tpu.memref_slice %arg2[%dma_wait3A_92, %dma_wait3A_93] : memref<10240x128xf32, #tpu.memory_space<hbm>> -> memref<10240x128xf32, #tpu.memory_space<hbm>>
      %dma_wait3A_95 = tpu.memref_slice %arg11[%while3A_82] : memref<3x!tpu.dma_semaphore, #tpu.memory_space<semaphore_mem>> -> memref<1x!tpu.dma_semaphore, #tpu.memory_space<semaphore_mem>>
      %dma_wait3A_96 = tpu.memref_squeeze %dma_wait3A_95 : memref<1x!tpu.dma_semaphore, #tpu.memory_space<semaphore_mem>> -> memref<!tpu.dma_semaphore, #tpu.memory_space<semaphore_mem>>
      tpu.wait_indirect_dma semaphore(%dma_wait3A_96 : memref<!tpu.dma_semaphore, #tpu.memory_space<semaphore_mem>>) src(%dma_wait3A_94 : memref<10240x128xf32, #tpu.memory_space<hbm>>) dst(%dma_wait3A_90 : memref<64x128xf32, #tpu.memory_space<vmem>>)
      %gt3A = arith.constant 0 : i32
      %gt3A_97 = arith.cmpi sgt, %while3A_81, %gt3A : i32
      %convert_element_type3A = arith.extui %gt3A_97 : i1 to i32
      %cond3A = arith.constant 0 : i32
      %cond3A_98 = arith.cmpi ne, %convert_element_type3A, %cond3A : i32
      scf.if %cond3A_98 {
        %dma_wait3A_151 = arith.constant 0 : i32
        %dma_wait3A_152 = arith.constant 0 : i32
        %dma_wait3A_153 = arith.constant 0 : i32
        %dma_wait3A_154 = tpu.memref_slice %arg9[%while3A_84, %dma_wait3A_152, %dma_wait3A_153] : memref<3x64x128xf32, #tpu.memory_space<vmem>> -> memref<1x64x128xf32, #tpu.memory_space<vmem>>
        %dma_wait3A_155 = tpu.memref_squeeze %dma_wait3A_154 : memref<1x64x128xf32, #tpu.memory_space<vmem>> -> memref<64x128xf32, #tpu.memory_space<vmem>>
        %dma_wait3A_156 = arith.constant 0 : i32
        %dma_wait3A_157 = tpu.memref_slice %arg10[%while3A_84, %dma_wait3A_151, %dma_wait3A_156] : memref<3x1x64xi32, #tpu.memory_space<vmem>> -> memref<1x1x64xi32, #tpu.memory_space<vmem>>
        %dma_wait3A_158 = tpu.memref_squeeze %dma_wait3A_157 : memref<1x1x64xi32, #tpu.memory_space<vmem>> -> memref<64xi32, #tpu.memory_space<vmem>>
        %dma_wait3A_159 = arith.constant 0 : i32
        %dma_wait3A_160 = arith.constant 0 : i32
        %dma_wait3A_161 = tpu.memref_slice %arg6[%dma_wait3A_159, %dma_wait3A_160] : memref<10240x128xf32, #tpu.memory_space<vmem_shared>> -> memref<10240x128xf32, #tpu.memory_space<vmem_shared>>
        %dma_wait3A_162 = tpu.memref_slice %arg12[%while3A_84] : memref<3x!tpu.dma_semaphore, #tpu.memory_space<semaphore_mem>> -> memref<1x!tpu.dma_semaphore, #tpu.memory_space<semaphore_mem>>
        %dma_wait3A_163 = tpu.memref_squeeze %dma_wait3A_162 : memref<1x!tpu.dma_semaphore, #tpu.memory_space<semaphore_mem>> -> memref<!tpu.dma_semaphore, #tpu.memory_space<semaphore_mem>>
        tpu.wait_indirect_dma semaphore(%dma_wait3A_163 : memref<!tpu.dma_semaphore, #tpu.memory_space<semaphore_mem>>) src(%dma_wait3A_155 : memref<64x128xf32, #tpu.memory_space<vmem>>) dst(%dma_wait3A_161 : memref<10240x128xf32, #tpu.memory_space<vmem_shared>>)
      } else {
      }
      %sub3A_99 = arith.constant 2 : i32
      %sub3A_100 = arith.subi %select_n3A_10, %sub3A_99 : i32
      %lt3A = arith.cmpi slt, %while3A_81, %sub3A_100 : i32
      %convert_element_type3A_101 = arith.extui %lt3A : i1 to i32
      %cond3A_102 = arith.constant 0 : i32
      %cond3A_103 = arith.cmpi ne, %convert_element_type3A_101, %cond3A_102 : i32
      scf.if %cond3A_103 {
        %add3A_151 = arith.constant 2 : i32
        %add3A_152 = arith.addi %while3A_81, %add3A_151 : i32
        %mul3A_153 = arith.constant 64 : i32
        %mul3A_154 = arith.muli %add3A_152, %mul3A_153 : i32
        %dma_start3A_155 = arith.constant 0 : i32
        %dma_start3A_156 = arith.constant 0 : i32
        %dma_start3A_157 = tpu.memref_slice %arg9[%while3A_84, %dma_start3A_155, %dma_start3A_156] : memref<3x64x128xf32, #tpu.memory_space<vmem>> -> memref<1x64x128xf32, #tpu.memory_space<vmem>>
        %dma_start3A_158 = tpu.memref_squeeze %dma_start3A_157 : memref<1x64x128xf32, #tpu.memory_space<vmem>> -> memref<64x128xf32, #tpu.memory_space<vmem>>
        %dma_start3A_159 = tpu.memref_slice %arg7[%mul3A_154] : memref<13184xi32, #tpu.memory_space<vmem>> -> memref<64xi32, #tpu.memory_space<vmem>>
        %dma_start3A_160 = arith.constant 0 : i32
        %dma_start3A_161 = arith.constant 0 : i32
        %dma_start3A_162 = tpu.memref_slice %arg2[%dma_start3A_160, %dma_start3A_161] : memref<10240x128xf32, #tpu.memory_space<hbm>> -> memref<10240x128xf32, #tpu.memory_space<hbm>>
        %dma_start3A_163 = tpu.memref_slice %arg11[%while3A_84] : memref<3x!tpu.dma_semaphore, #tpu.memory_space<semaphore_mem>> -> memref<1x!tpu.dma_semaphore, #tpu.memory_space<semaphore_mem>>
        %dma_start3A_164 = tpu.memref_squeeze %dma_start3A_163 : memref<1x!tpu.dma_semaphore, #tpu.memory_space<semaphore_mem>> -> memref<!tpu.dma_semaphore, #tpu.memory_space<semaphore_mem>>
        tpu.enqueue_indirect_dma source(%dma_start3A_162 : memref<10240x128xf32, #tpu.memory_space<hbm>>) target(%dma_start3A_158 : memref<64x128xf32, #tpu.memory_space<vmem>>) offsets(%dma_start3A_159 : memref<64xi32, #tpu.memory_space<vmem>>) semaphore(%dma_start3A_164 : memref<!tpu.dma_semaphore, #tpu.memory_space<semaphore_mem>>)
      } else {
      }
      %mul3A_104 = arith.constant 32 : i32
      %mul3A_105 = arith.muli %while3A_81, %mul3A_104 : i32
      %add3A_106 = arith.constant 0 : i32
      %add3A_107 = arith.addi %mul3A_105, %add3A_106 : i32
      %get3A = arith.index_cast %add3A_107 : i32 to index
      %get3A_108 = tpu.vector_load %arg8[%get3A] {strides = array<i32>} : memref<6592xi32, #tpu.memory_space<vmem>>, vector<16xi32>,
      %bitcast3A = vector.bitcast %get3A_108 : vector<16xi32> to vector<32xi16>
      %unpack3A = tpu.unpack_subelements %bitcast3A, 0 {pack_format = #tpu.pack_format<interleaved>} : vector<32xi16> -> vector<16xi32>
      %unpack3A_109 = tpu.unpack_subelements %bitcast3A, 1 {pack_format = #tpu.pack_format<interleaved>} : vector<32xi16> -> vector<16xi32>
      %swap3A = arith.constant 0 : i32
      %swap3A_110 = arith.index_cast %while3A_82 : i32 to index
      %swap3A_111 = arith.index_cast %swap3A : i32 to index
      %swap3A_112 = arith.constant 0 : index
      %swap3A_113 = tpu.vector_load %arg10[%swap3A_110, %swap3A_111, %swap3A_112] {strides = array<i32>} : memref<3x1x64xi32, #tpu.memory_space<vmem>>, vector<16xi32>,
      tpu.vector_store %arg10[%swap3A_110, %swap3A_111, %swap3A_112], %unpack3A {strides = array<i32>} : memref<3x1x64xi32, #tpu.memory_space<vmem>>, vector<16xi32>,
      %swap3A_114 = arith.constant 0 : i32
      %swap3A_115 = arith.index_cast %while3A_82 : i32 to index
      %swap3A_116 = arith.index_cast %swap3A_114 : i32 to index
      %swap3A_117 = arith.constant 16 : index
      %swap3A_118 = tpu.vector_load %arg10[%swap3A_115, %swap3A_116, %swap3A_117] {strides = array<i32>} : memref<3x1x64xi32, #tpu.memory_space<vmem>>, vector<16xi32>,
      tpu.vector_store %arg10[%swap3A_115, %swap3A_116, %swap3A_117], %unpack3A_109 {strides = array<i32>} : memref<3x1x64xi32, #tpu.memory_space<vmem>>, vector<16xi32>,
      %mul3A_119 = arith.constant 32 : i32
      %mul3A_120 = arith.muli %while3A_81, %mul3A_119 : i32
      %add3A_121 = arith.constant 16 : i32
      %add3A_122 = arith.addi %mul3A_120, %add3A_121 : i32
      %get3A_123 = arith.index_cast %add3A_122 : i32 to index
      %get3A_124 = tpu.vector_load %arg8[%get3A_123] {strides = array<i32>} : memref<6592xi32, #tpu.memory_space<vmem>>, vector<16xi32>,
      %bitcast3A_125 = vector.bitcast %get3A_124 : vector<16xi32> to vector<32xi16>
      %unpack3A_126 = tpu.unpack_subelements %bitcast3A_125, 0 {pack_format = #tpu.pack_format<interleaved>} : vector<32xi16> -> vector<16xi32>
      %unpack3A_127 = tpu.unpack_subelements %bitcast3A_125, 1 {pack_format = #tpu.pack_format<interleaved>} : vector<32xi16> -> vector<16xi32>
      %swap3A_128 = arith.constant 0 : i32
      %swap3A_129 = arith.index_cast %while3A_82 : i32 to index
      %swap3A_130 = arith.index_cast %swap3A_128 : i32 to index
      %swap3A_131 = arith.constant 32 : index
      %swap3A_132 = tpu.vector_load %arg10[%swap3A_129, %swap3A_130, %swap3A_131] {strides = array<i32>} : memref<3x1x64xi32, #tpu.memory_space<vmem>>, vector<16xi32>,
      tpu.vector_store %arg10[%swap3A_129, %swap3A_130, %swap3A_131], %unpack3A_126 {strides = array<i32>} : memref<3x1x64xi32, #tpu.memory_space<vmem>>, vector<16xi32>,
      %swap3A_133 = arith.constant 0 : i32
      %swap3A_134 = arith.index_cast %while3A_82 : i32 to index
      %swap3A_135 = arith.index_cast %swap3A_133 : i32 to index
      %swap3A_136 = arith.constant 48 : index
      %swap3A_137 = tpu.vector_load %arg10[%swap3A_134, %swap3A_135, %swap3A_136] {strides = array<i32>} : memref<3x1x64xi32, #tpu.memory_space<vmem>>, vector<16xi32>,
      tpu.vector_store %arg10[%swap3A_134, %swap3A_135, %swap3A_136], %unpack3A_127 {strides = array<i32>} : memref<3x1x64xi32, #tpu.memory_space<vmem>>, vector<16xi32>,
      %dma_start3A_138 = arith.constant 0 : i32
      %dma_start3A_139 = arith.constant 0 : i32
      %dma_start3A_140 = arith.constant 0 : i32
      %dma_start3A_141 = tpu.memref_slice %arg9[%while3A_82, %dma_start3A_139, %dma_start3A_140] : memref<3x64x128xf32, #tpu.memory_space<vmem>> -> memref<1x64x128xf32, #tpu.memory_space<vmem>>
      %dma_start3A_142 = tpu.memref_squeeze %dma_start3A_141 : memref<1x64x128xf32, #tpu.memory_space<vmem>> -> memref<64x128xf32, #tpu.memory_space<vmem>>
      %dma_start3A_143 = arith.constant 0 : i32
      %dma_start3A_144 = tpu.memref_slice %arg10[%while3A_82, %dma_start3A_138, %dma_start3A_143] : memref<3x1x64xi32, #tpu.memory_space<vmem>> -> memref<1x1x64xi32, #tpu.memory_space<vmem>>
      %dma_start3A_145 = tpu.memref_squeeze %dma_start3A_144 : memref<1x1x64xi32, #tpu.memory_space<vmem>> -> memref<64xi32, #tpu.memory_space<vmem>>
      %dma_start3A_146 = arith.constant 0 : i32
      %dma_start3A_147 = arith.constant 0 : i32
      %dma_start3A_148 = tpu.memref_slice %arg6[%dma_start3A_146, %dma_start3A_147] : memref<10240x128xf32, #tpu.memory_space<vmem_shared>> -> memref<10240x128xf32, #tpu.memory_space<vmem_shared>>
      %dma_start3A_149 = tpu.memref_slice %arg12[%while3A_82] : memref<3x!tpu.dma_semaphore, #tpu.memory_space<semaphore_mem>> -> memref<1x!tpu.dma_semaphore, #tpu.memory_space<semaphore_mem>>
      %dma_start3A_150 = tpu.memref_squeeze %dma_start3A_149 : memref<1x!tpu.dma_semaphore, #tpu.memory_space<semaphore_mem>> -> memref<!tpu.dma_semaphore, #tpu.memory_space<semaphore_mem>>
      tpu.enqueue_indirect_dma source(%dma_start3A_142 : memref<64x128xf32, #tpu.memory_space<vmem>>) target(%dma_start3A_148 : memref<10240x128xf32, #tpu.memory_space<vmem_shared>>) offsets(%dma_start3A_145 : memref<64xi32, #tpu.memory_space<vmem>>) semaphore(%dma_start3A_150 : memref<!tpu.dma_semaphore, #tpu.memory_space<semaphore_mem>>) {add = true}
      scf.yield %while3A_83, %while3A_84, %while3A_82 : i32, i32, i32
    }
    %while3A_66 = arith.constant 1 : i32
    %while3A_67:3 = scf.for %while3A_81 = %while3A_63 to %while3A_59 step %while3A_66 iter_args(%while3A_82 = %while3A_65#0, %while3A_83 = %while3A_65#1, %while3A_84 = %while3A_65#2) -> (i32, i32, i32)  : i32 {
      %mul3A_85 = arith.constant 64 : i32
      %mul3A_86 = arith.muli %while3A_81, %mul3A_85 : i32
      %dma_wait3A_87 = arith.constant 0 : i32
      %dma_wait3A_88 = arith.constant 0 : i32
      %dma_wait3A_89 = tpu.memref_slice %arg9[%while3A_82, %dma_wait3A_87, %dma_wait3A_88] : memref<3x64x128xf32, #tpu.memory_space<vmem>> -> memref<1x64x128xf32, #tpu.memory_space<vmem>>
      %dma_wait3A_90 = tpu.memref_squeeze %dma_wait3A_89 : memref<1x64x128xf32, #tpu.memory_space<vmem>> -> memref<64x128xf32, #tpu.memory_space<vmem>>
      %dma_wait3A_91 = tpu.memref_slice %arg7[%mul3A_86] : memref<13184xi32, #tpu.memory_space<vmem>> -> memref<64xi32, #tpu.memory_space<vmem>>
      %dma_wait3A_92 = arith.constant 0 : i32
      %dma_wait3A_93 = arith.constant 0 : i32
      %dma_wait3A_94 = tpu.memref_slice %arg2[%dma_wait3A_92, %dma_wait3A_93] : memref<10240x128xf32, #tpu.memory_space<hbm>> -> memref<10240x128xf32, #tpu.memory_space<hbm>>
      %dma_wait3A_95 = tpu.memref_slice %arg11[%while3A_82] : memref<3x!tpu.dma_semaphore, #tpu.memory_space<semaphore_mem>> -> memref<1x!tpu.dma_semaphore, #tpu.memory_space<semaphore_mem>>
      %dma_wait3A_96 = tpu.memref_squeeze %dma_wait3A_95 : memref<1x!tpu.dma_semaphore, #tpu.memory_space<semaphore_mem>> -> memref<!tpu.dma_semaphore, #tpu.memory_space<semaphore_mem>>
      tpu.wait_indirect_dma semaphore(%dma_wait3A_96 : memref<!tpu.dma_semaphore, #tpu.memory_space<semaphore_mem>>) src(%dma_wait3A_94 : memref<10240x128xf32, #tpu.memory_space<hbm>>) dst(%dma_wait3A_90 : memref<64x128xf32, #tpu.memory_space<vmem>>)
      %gt3A = arith.constant 0 : i32
      %gt3A_97 = arith.cmpi sgt, %while3A_81, %gt3A : i32
      %convert_element_type3A = arith.extui %gt3A_97 : i1 to i32
      %cond3A = arith.constant 0 : i32
      %cond3A_98 = arith.cmpi ne, %convert_element_type3A, %cond3A : i32
      scf.if %cond3A_98 {
        %dma_wait3A_151 = arith.constant 0 : i32
        %dma_wait3A_152 = arith.constant 0 : i32
        %dma_wait3A_153 = arith.constant 0 : i32
        %dma_wait3A_154 = tpu.memref_slice %arg9[%while3A_84, %dma_wait3A_152, %dma_wait3A_153] : memref<3x64x128xf32, #tpu.memory_space<vmem>> -> memref<1x64x128xf32, #tpu.memory_space<vmem>>
        %dma_wait3A_155 = tpu.memref_squeeze %dma_wait3A_154 : memref<1x64x128xf32, #tpu.memory_space<vmem>> -> memref<64x128xf32, #tpu.memory_space<vmem>>
        %dma_wait3A_156 = arith.constant 0 : i32
        %dma_wait3A_157 = tpu.memref_slice %arg10[%while3A_84, %dma_wait3A_151, %dma_wait3A_156] : memref<3x1x64xi32, #tpu.memory_space<vmem>> -> memref<1x1x64xi32, #tpu.memory_space<vmem>>
        %dma_wait3A_158 = tpu.memref_squeeze %dma_wait3A_157 : memref<1x1x64xi32, #tpu.memory_space<vmem>> -> memref<64xi32, #tpu.memory_space<vmem>>
        %dma_wait3A_159 = arith.constant 0 : i32
        %dma_wait3A_160 = arith.constant 0 : i32
        %dma_wait3A_161 = tpu.memref_slice %arg6[%dma_wait3A_159, %dma_wait3A_160] : memref<10240x128xf32, #tpu.memory_space<vmem_shared>> -> memref<10240x128xf32, #tpu.memory_space<vmem_shared>>
        %dma_wait3A_162 = tpu.memref_slice %arg12[%while3A_84] : memref<3x!tpu.dma_semaphore, #tpu.memory_space<semaphore_mem>> -> memref<1x!tpu.dma_semaphore, #tpu.memory_space<semaphore_mem>>
        %dma_wait3A_163 = tpu.memref_squeeze %dma_wait3A_162 : memref<1x!tpu.dma_semaphore, #tpu.memory_space<semaphore_mem>> -> memref<!tpu.dma_semaphore, #tpu.memory_space<semaphore_mem>>
        tpu.wait_indirect_dma semaphore(%dma_wait3A_163 : memref<!tpu.dma_semaphore, #tpu.memory_space<semaphore_mem>>) src(%dma_wait3A_155 : memref<64x128xf32, #tpu.memory_space<vmem>>) dst(%dma_wait3A_161 : memref<10240x128xf32, #tpu.memory_space<vmem_shared>>)
      } else {
      }
      %sub3A_99 = arith.constant 2 : i32
      %sub3A_100 = arith.subi %select_n3A_10, %sub3A_99 : i32
      %lt3A = arith.cmpi slt, %while3A_81, %sub3A_100 : i32
      %convert_element_type3A_101 = arith.extui %lt3A : i1 to i32
      %cond3A_102 = arith.constant 0 : i32
      %cond3A_103 = arith.cmpi ne, %convert_element_type3A_101, %cond3A_102 : i32
      scf.if %cond3A_103 {
        %add3A_151 = arith.constant 2 : i32
        %add3A_152 = arith.addi %while3A_81, %add3A_151 : i32
        %mul3A_153 = arith.constant 64 : i32
        %mul3A_154 = arith.muli %add3A_152, %mul3A_153 : i32
        %dma_start3A_155 = arith.constant 0 : i32
        %dma_start3A_156 = arith.constant 0 : i32
        %dma_start3A_157 = tpu.memref_slice %arg9[%while3A_84, %dma_start3A_155, %dma_start3A_156] : memref<3x64x128xf32, #tpu.memory_space<vmem>> -> memref<1x64x128xf32, #tpu.memory_space<vmem>>
        %dma_start3A_158 = tpu.memref_squeeze %dma_start3A_157 : memref<1x64x128xf32, #tpu.memory_space<vmem>> -> memref<64x128xf32, #tpu.memory_space<vmem>>
        %dma_start3A_159 = tpu.memref_slice %arg7[%mul3A_154] : memref<13184xi32, #tpu.memory_space<vmem>> -> memref<64xi32, #tpu.memory_space<vmem>>
        %dma_start3A_160 = arith.constant 0 : i32
        %dma_start3A_161 = arith.constant 0 : i32
        %dma_start3A_162 = tpu.memref_slice %arg2[%dma_start3A_160, %dma_start3A_161] : memref<10240x128xf32, #tpu.memory_space<hbm>> -> memref<10240x128xf32, #tpu.memory_space<hbm>>
        %dma_start3A_163 = tpu.memref_slice %arg11[%while3A_84] : memref<3x!tpu.dma_semaphore, #tpu.memory_space<semaphore_mem>> -> memref<1x!tpu.dma_semaphore, #tpu.memory_space<semaphore_mem>>
        %dma_start3A_164 = tpu.memref_squeeze %dma_start3A_163 : memref<1x!tpu.dma_semaphore, #tpu.memory_space<semaphore_mem>> -> memref<!tpu.dma_semaphore, #tpu.memory_space<semaphore_mem>>
        tpu.enqueue_indirect_dma source(%dma_start3A_162 : memref<10240x128xf32, #tpu.memory_space<hbm>>) target(%dma_start3A_158 : memref<64x128xf32, #tpu.memory_space<vmem>>) offsets(%dma_start3A_159 : memref<64xi32, #tpu.memory_space<vmem>>) semaphore(%dma_start3A_164 : memref<!tpu.dma_semaphore, #tpu.memory_space<semaphore_mem>>)
      } else {
      }
      %mul3A_104 = arith.constant 32 : i32
      %mul3A_105 = arith.muli %while3A_81, %mul3A_104 : i32
      %add3A_106 = arith.constant 0 : i32
      %add3A_107 = arith.addi %mul3A_105, %add3A_106 : i32
      %get3A = arith.index_cast %add3A_107 : i32 to index
      %get3A_108 = tpu.vector_load %arg8[%get3A] {strides = array<i32>} : memref<6592xi32, #tpu.memory_space<vmem>>, vector<16xi32>,
      %bitcast3A = vector.bitcast %get3A_108 : vector<16xi32> to vector<32xi16>
      %unpack3A = tpu.unpack_subelements %bitcast3A, 0 {pack_format = #tpu.pack_format<interleaved>} : vector<32xi16> -> vector<16xi32>
      %unpack3A_109 = tpu.unpack_subelements %bitcast3A, 1 {pack_format = #tpu.pack_format<interleaved>} : vector<32xi16> -> vector<16xi32>
      %swap3A = arith.constant 0 : i32
      %swap3A_110 = arith.index_cast %while3A_82 : i32 to index
      %swap3A_111 = arith.index_cast %swap3A : i32 to index
      %swap3A_112 = arith.constant 0 : index
      %swap3A_113 = tpu.vector_load %arg10[%swap3A_110, %swap3A_111, %swap3A_112] {strides = array<i32>} : memref<3x1x64xi32, #tpu.memory_space<vmem>>, vector<16xi32>,
      tpu.vector_store %arg10[%swap3A_110, %swap3A_111, %swap3A_112], %unpack3A {strides = array<i32>} : memref<3x1x64xi32, #tpu.memory_space<vmem>>, vector<16xi32>,
      %swap3A_114 = arith.constant 0 : i32
      %swap3A_115 = arith.index_cast %while3A_82 : i32 to index
      %swap3A_116 = arith.index_cast %swap3A_114 : i32 to index
      %swap3A_117 = arith.constant 16 : index
      %swap3A_118 = tpu.vector_load %arg10[%swap3A_115, %swap3A_116, %swap3A_117] {strides = array<i32>} : memref<3x1x64xi32, #tpu.memory_space<vmem>>, vector<16xi32>,
      tpu.vector_store %arg10[%swap3A_115, %swap3A_116, %swap3A_117], %unpack3A_109 {strides = array<i32>} : memref<3x1x64xi32, #tpu.memory_space<vmem>>, vector<16xi32>,
      %mul3A_119 = arith.constant 32 : i32
      %mul3A_120 = arith.muli %while3A_81, %mul3A_119 : i32
      %add3A_121 = arith.constant 16 : i32
      %add3A_122 = arith.addi %mul3A_120, %add3A_121 : i32
      %get3A_123 = arith.index_cast %add3A_122 : i32 to index
      %get3A_124 = tpu.vector_load %arg8[%get3A_123] {strides = array<i32>} : memref<6592xi32, #tpu.memory_space<vmem>>, vector<16xi32>,
      %bitcast3A_125 = vector.bitcast %get3A_124 : vector<16xi32> to vector<32xi16>
      %unpack3A_126 = tpu.unpack_subelements %bitcast3A_125, 0 {pack_format = #tpu.pack_format<interleaved>} : vector<32xi16> -> vector<16xi32>
      %unpack3A_127 = tpu.unpack_subelements %bitcast3A_125, 1 {pack_format = #tpu.pack_format<interleaved>} : vector<32xi16> -> vector<16xi32>
      %swap3A_128 = arith.constant 0 : i32
      %swap3A_129 = arith.index_cast %while3A_82 : i32 to index
      %swap3A_130 = arith.index_cast %swap3A_128 : i32 to index
      %swap3A_131 = arith.constant 32 : index
      %swap3A_132 = tpu.vector_load %arg10[%swap3A_129, %swap3A_130, %swap3A_131] {strides = array<i32>} : memref<3x1x64xi32, #tpu.memory_space<vmem>>, vector<16xi32>,
      tpu.vector_store %arg10[%swap3A_129, %swap3A_130, %swap3A_131], %unpack3A_126 {strides = array<i32>} : memref<3x1x64xi32, #tpu.memory_space<vmem>>, vector<16xi32>,
      %swap3A_133 = arith.constant 0 : i32
      %swap3A_134 = arith.index_cast %while3A_82 : i32 to index
      %swap3A_135 = arith.index_cast %swap3A_133 : i32 to index
      %swap3A_136 = arith.constant 48 : index
      %swap3A_137 = tpu.vector_load %arg10[%swap3A_134, %swap3A_135, %swap3A_136] {strides = array<i32>} : memref<3x1x64xi32, #tpu.memory_space<vmem>>, vector<16xi32>,
      tpu.vector_store %arg10[%swap3A_134, %swap3A_135, %swap3A_136], %unpack3A_127 {strides = array<i32>} : memref<3x1x64xi32, #tpu.memory_space<vmem>>, vector<16xi32>,
      %dma_start3A_138 = arith.constant 0 : i32
      %dma_start3A_139 = arith.constant 0 : i32
      %dma_start3A_140 = arith.constant 0 : i32
      %dma_start3A_141 = tpu.memref_slice %arg9[%while3A_82, %dma_start3A_139, %dma_start3A_140] : memref<3x64x128xf32, #tpu.memory_space<vmem>> -> memref<1x64x128xf32, #tpu.memory_space<vmem>>
      %dma_start3A_142 = tpu.memref_squeeze %dma_start3A_141 : memref<1x64x128xf32, #tpu.memory_space<vmem>> -> memref<64x128xf32, #tpu.memory_space<vmem>>
      %dma_start3A_143 = arith.constant 0 : i32
      %dma_start3A_144 = tpu.memref_slice %arg10[%while3A_82, %dma_start3A_138, %dma_start3A_143] : memref<3x1x64xi32, #tpu.memory_space<vmem>> -> memref<1x1x64xi32, #tpu.memory_space<vmem>>
      %dma_start3A_145 = tpu.memref_squeeze %dma_start3A_144 : memref<1x1x64xi32, #tpu.memory_space<vmem>> -> memref<64xi32, #tpu.memory_space<vmem>>
      %dma_start3A_146 = arith.constant 0 : i32
      %dma_start3A_147 = arith.constant 0 : i32
      %dma_start3A_148 = tpu.memref_slice %arg6[%dma_start3A_146, %dma_start3A_147] : memref<10240x128xf32, #tpu.memory_space<vmem_shared>> -> memref<10240x128xf32, #tpu.memory_space<vmem_shared>>
      %dma_start3A_149 = tpu.memref_slice %arg12[%while3A_82] : memref<3x!tpu.dma_semaphore, #tpu.memory_space<semaphore_mem>> -> memref<1x!tpu.dma_semaphore, #tpu.memory_space<semaphore_mem>>
      %dma_start3A_150 = tpu.memref_squeeze %dma_start3A_149 : memref<1x!tpu.dma_semaphore, #tpu.memory_space<semaphore_mem>> -> memref<!tpu.dma_semaphore, #tpu.memory_space<semaphore_mem>>
      tpu.enqueue_indirect_dma source(%dma_start3A_142 : memref<64x128xf32, #tpu.memory_space<vmem>>) target(%dma_start3A_148 : memref<10240x128xf32, #tpu.memory_space<vmem_shared>>) offsets(%dma_start3A_145 : memref<64xi32, #tpu.memory_space<vmem>>) semaphore(%dma_start3A_150 : memref<!tpu.dma_semaphore, #tpu.memory_space<semaphore_mem>>) {add = true}
      scf.yield %while3A_83, %while3A_84, %while3A_82 : i32, i32, i32
    }
    %dma_wait3A = arith.constant 0 : i32
    %dma_wait3A_68 = arith.constant 0 : i32
    %dma_wait3A_69 = arith.constant 0 : i32
    %dma_wait3A_70 = tpu.memref_slice %arg9[%while3A_67#2, %dma_wait3A_68, %dma_wait3A_69] : memref<3x64x128xf32, #tpu.memory_space<vmem>> -> memref<1x64x128xf32, #tpu.memory_space<vmem>>
    %dma_wait3A_71 = tpu.memref_squeeze %dma_wait3A_70 : memref<1x64x128xf32, #tpu.memory_space<vmem>> -> memref<64x128xf32, #tpu.memory_space<vmem>>
    %dma_wait3A_72 = arith.constant 0 : i32
    %dma_wait3A_73 = tpu.memref_slice %arg10[%while3A_67#2, %dma_wait3A, %dma_wait3A_72] : memref<3x1x64xi32, #tpu.memory_space<vmem>> -> memref<1x1x64xi32, #tpu.memory_space<vmem>>
    %dma_wait3A_74 = tpu.memref_squeeze %dma_wait3A_73 : memref<1x1x64xi32, #tpu.memory_space<vmem>> -> memref<64xi32, #tpu.memory_space<vmem>>
    %dma_wait3A_75 = arith.constant 0 : i32
    %dma_wait3A_76 = arith.constant 0 : i32
    %dma_wait3A_77 = tpu.memref_slice %arg6[%dma_wait3A_75, %dma_wait3A_76] : memref<10240x128xf32, #tpu.memory_space<vmem_shared>> -> memref<10240x128xf32, #tpu.memory_space<vmem_shared>>
    %dma_wait3A_78 = tpu.memref_slice %arg12[%while3A_67#2] : memref<3x!tpu.dma_semaphore, #tpu.memory_space<semaphore_mem>> -> memref<1x!tpu.dma_semaphore, #tpu.memory_space<semaphore_mem>>
    %dma_wait3A_79 = tpu.memref_squeeze %dma_wait3A_78 : memref<1x!tpu.dma_semaphore, #tpu.memory_space<semaphore_mem>> -> memref<!tpu.dma_semaphore, #tpu.memory_space<semaphore_mem>>
    tpu.wait_indirect_dma semaphore(%dma_wait3A_79 : memref<!tpu.dma_semaphore, #tpu.memory_space<semaphore_mem>>) src(%dma_wait3A_71 : memref<64x128xf32, #tpu.memory_space<vmem>>) dst(%dma_wait3A_77 : memref<10240x128xf32, #tpu.memory_space<vmem_shared>>)
    %barrier3A_80 = arith.constant 0 : index
    tpu.barrier barrier_id(%barrier3A_80)
    "tpu.region"() ({
      %run_scoped3A = tpu.sem_alloc : memref<!tpu.dma_semaphore, #tpu.memory_space<semaphore_mem>>
      %dma_start3A_81 = arith.constant 0 : i32
      %dma_start3A_82 = tpu.memref_slice %arg5[%arg0, %mul3A_0, %dma_start3A_81] : memref<2x10240x128xf32, #tpu.memory_space<hbm>> -> memref<1x640x128xf32, #tpu.memory_space<hbm>>
      %dma_start3A_83 = tpu.memref_squeeze %dma_start3A_82 : memref<1x640x128xf32, #tpu.memory_space<hbm>> -> memref<640x128xf32, #tpu.memory_space<hbm>>
      %dma_start3A_84 = arith.constant 0 : i32
      %dma_start3A_85 = tpu.memref_slice %arg6[%mul3A_0, %dma_start3A_84] : memref<10240x128xf32, #tpu.memory_space<vmem_shared>> -> memref<640x128xf32, #tpu.memory_space<vmem_shared>>
      tpu.enqueue_dma source(%dma_start3A_85 : memref<640x128xf32, #tpu.memory_space<vmem_shared>>) target(%dma_start3A_83 : memref<640x128xf32, #tpu.memory_space<hbm>>) target_semaphore(%run_scoped3A : memref<!tpu.dma_semaphore, #tpu.memory_space<semaphore_mem>>)
      %dma_wait3A_86 = arith.constant 0 : i32
      %dma_wait3A_87 = tpu.memref_slice %arg5[%arg0, %mul3A_0, %dma_wait3A_86] : memref<2x10240x128xf32, #tpu.memory_space<hbm>> -> memref<1x640x128xf32, #tpu.memory_space<hbm>>
      %dma_wait3A_88 = tpu.memref_squeeze %dma_wait3A_87 : memref<1x640x128xf32, #tpu.memory_space<hbm>> -> memref<640x128xf32, #tpu.memory_space<hbm>>
      %dma_wait3A_89 = arith.constant 0 : i32
      %dma_wait3A_90 = tpu.memref_slice %arg6[%mul3A_0, %dma_wait3A_89] : memref<10240x128xf32, #tpu.memory_space<vmem_shared>> -> memref<640x128xf32, #tpu.memory_space<vmem_shared>>
      tpu.wait_dma2 semaphore(%run_scoped3A : memref<!tpu.dma_semaphore, #tpu.memory_space<semaphore_mem>>) src(%dma_wait3A_90 : memref<640x128xf32, #tpu.memory_space<vmem_shared>>) dst(%dma_wait3A_88 : memref<640x128xf32, #tpu.memory_space<hbm>>)
      tpu.yield
    }) : () -> ()
    return
  }
}

#map = affine_map<(d0, d1) -> (0, 0)>
#map1 = affine_map<(d0, d1) -> (0)>
#map2 = affine_map<(d0, d1) -> (0, 0, 0)>
module attributes {stable_mosaic.version = 14 : i64} {
  func.func @k(%arg0: i32, %arg1: i32, %arg2: memref<10240x128xf32, #tpu.memory_space<hbm>>, %arg3: memref<326848xi32, #tpu.memory_space<hbm>>, %arg4: memref<163424xi32, #tpu.memory_space<hbm>>, %arg5: memref<2x10240x128xf32, #tpu.memory_space<hbm>>, %arg6: memref<10240x128xf32, #tpu.memory_space<vmem_shared>>, %arg7: memref<13184xi32, #tpu.memory_space<vmem>>, %arg8: memref<6592xi32, #tpu.memory_space<vmem>>, %arg9: memref<3x64x128xf32, #tpu.memory_space<vmem>>, %arg10: memref<3x1x64xi32, #tpu.memory_space<vmem>>, %arg11: memref<3x!tpu.dma_semaphore, #tpu.memory_space<semaphore_mem>>, %arg12: memref<3x!tpu.dma_semaphore, #tpu.memory_space<semaphore_mem>>) attributes {dimension_semantics = [#tpu.dimension_semantics<core_parallel>, #tpu.dimension_semantics<subcore_parallel>], iteration_bounds = array<i64: 2, 16>, scalar_prefetch = 0 : i64, scratch_operands = 7 : i64, tpu.core_type = #tpu.core_type<sc_vector_subcore>, window_params = [{transform_indices = #map}, {transform_indices = #map1}, {transform_indices = #map1}, {transform_indices = #map2}]} {
    %mul3A = arith.constant 640 : i32
    %mul3A_0 = arith.muli %arg1, %mul3A : i32
    %eq3A = arith.constant 0 : i32
    %eq3A_1 = arith.cmpi eq, %arg0, %eq3A : i32
    %mul3A_2 = arith.constant 13184 : i32
    %mul3A_3 = arith.muli %arg1, %mul3A_2 : i32
    %mul3A_4 = arith.constant 6848 : i32
    %mul3A_5 = arith.muli %arg1, %mul3A_4 : i32
    %add3A = arith.constant 210944 : i32
    %add3A_6 = arith.addi %add3A, %mul3A_5 : i32
    %select_n3A = arith.select %eq3A_1, %mul3A_3, %add3A_6 : i32
    %multiple_of3A = tpu.assume_multiple %select_n3A, 16 : i32
    %eq3A_7 = arith.constant 0 : i32
    %eq3A_8 = arith.cmpi eq, %arg0, %eq3A_7 : i32
    %jit3A = arith.constant 206 : i32
    %jit3A_9 = arith.constant 107 : i32
    %select_n3A_10 = arith.select %eq3A_8, %jit3A, %jit3A_9 : i32
    "tpu.region"() ({
      %run_scoped3A = tpu.sem_alloc : memref<!tpu.dma_semaphore, #tpu.memory_space<semaphore_mem>>
      %dma_start3A_81 = tpu.memref_slice %arg3[%multiple_of3A] : memref<326848xi32, #tpu.memory_space<hbm>> -> memref<13184xi32, #tpu.memory_space<hbm>>
      %dma_start3A_82 = tpu.memref_slice %arg3[%multiple_of3A] : memref<326848xi32, #tpu.memory_space<hbm>> -> memref<13184xi32, #tpu.memory_space<hbm>>
      tpu.enqueue_dma source(%dma_start3A_82 : memref<13184xi32, #tpu.memory_space<hbm>>) target(%arg7 : memref<13184xi32, #tpu.memory_space<vmem>>) target_semaphore(%run_scoped3A : memref<!tpu.dma_semaphore, #tpu.memory_space<semaphore_mem>>)
      %dma_wait3A_83 = tpu.memref_slice %arg3[%multiple_of3A] : memref<326848xi32, #tpu.memory_space<hbm>> -> memref<13184xi32, #tpu.memory_space<hbm>>
      %dma_wait3A_84 = tpu.memref_slice %arg3[%multiple_of3A] : memref<326848xi32, #tpu.memory_space<hbm>> -> memref<13184xi32, #tpu.memory_space<hbm>>
      tpu.wait_dma2 semaphore(%run_scoped3A : memref<!tpu.dma_semaphore, #tpu.memory_space<semaphore_mem>>) src(%dma_wait3A_84 : memref<13184xi32, #tpu.memory_space<hbm>>) dst(%arg7 : memref<13184xi32, #tpu.memory_space<vmem>>)
      tpu.yield
    }) : () -> ()
    %jit3A_11 = arith.constant 2 : i32
    %div3A = arith.divsi %multiple_of3A, %jit3A_11 : i32
    %sign3A = arith.constant 0 : i32
    %sign3A_12 = arith.cmpi sgt, %multiple_of3A, %sign3A : i32
    %sign3A_13 = arith.extui %sign3A_12 : i1 to i32
    %sign3A_14 = arith.constant 0 : i32
    %sign3A_15 = arith.cmpi slt, %multiple_of3A, %sign3A_14 : i32
    %sign3A_16 = arith.extui %sign3A_15 : i1 to i32
    %sign3A_17 = arith.subi %sign3A_13, %sign3A_16 : i32
    %sign3A_18 = arith.constant 0 : i32
    %sign3A_19 = arith.cmpi sgt, %jit3A_11, %sign3A_18 : i32
    %sign3A_20 = arith.extui %sign3A_19 : i1 to i32
    %sign3A_21 = arith.constant 0 : i32
    %sign3A_22 = arith.cmpi slt, %jit3A_11, %sign3A_21 : i32
    %sign3A_23 = arith.extui %sign3A_22 : i1 to i32
    %sign3A_24 = arith.subi %sign3A_20, %sign3A_23 : i32
    %ne3A = arith.cmpi ne, %sign3A_17, %sign3A_24 : i32
    %rem3A = arith.remsi %multiple_of3A, %jit3A_11 : i32
    %ne3A_25 = arith.constant 0 : i32
    %ne3A_26 = arith.cmpi ne, %rem3A, %ne3A_25 : i32
    %and3A = arith.andi %ne3A, %ne3A_26 : i1
    %sub3A = arith.constant 1 : i32
    %sub3A_27 = arith.subi %div3A, %sub3A : i32
    %select_n3A_28 = arith.select %and3A, %sub3A_27, %div3A : i32
    %multiple_of3A_29 = tpu.assume_multiple %select_n3A_28, 8 : i32
    "tpu.region"() ({
      %run_scoped3A = tpu.sem_alloc : memref<!tpu.dma_semaphore, #tpu.memory_space<semaphore_mem>>
      %dma_start3A_81 = tpu.memref_slice %arg4[%multiple_of3A_29] : memref<163424xi32, #tpu.memory_space<hbm>> -> memref<6592xi32, #tpu.memory_space<hbm>>
      %dma_start3A_82 = tpu.memref_slice %arg4[%multiple_of3A_29] : memref<163424xi32, #tpu.memory_space<hbm>> -> memref<6592xi32, #tpu.memory_space<hbm>>
      tpu.enqueue_dma source(%dma_start3A_82 : memref<6592xi32, #tpu.memory_space<hbm>>) target(%arg8 : memref<6592xi32, #tpu.memory_space<vmem>>) target_semaphore(%run_scoped3A : memref<!tpu.dma_semaphore, #tpu.memory_space<semaphore_mem>>)
      %dma_wait3A_83 = tpu.memref_slice %arg4[%multiple_of3A_29] : memref<163424xi32, #tpu.memory_space<hbm>> -> memref<6592xi32, #tpu.memory_space<hbm>>
      %dma_wait3A_84 = tpu.memref_slice %arg4[%multiple_of3A_29] : memref<163424xi32, #tpu.memory_space<hbm>> -> memref<6592xi32, #tpu.memory_space<hbm>>
      tpu.wait_dma2 semaphore(%run_scoped3A : memref<!tpu.dma_semaphore, #tpu.memory_space<semaphore_mem>>) src(%dma_wait3A_84 : memref<6592xi32, #tpu.memory_space<hbm>>) dst(%arg8 : memref<6592xi32, #tpu.memory_space<vmem>>)
      tpu.yield
    }) : () -> ()
    "tpu.region"() ({
      %run_scoped3A = tpu.sem_alloc : memref<!tpu.dma_semaphore, #tpu.memory_space<semaphore_mem>>
      %dma_start3A_81 = arith.constant 0 : i32
      %dma_start3A_82 = tpu.memref_slice %arg6[%mul3A_0, %dma_start3A_81] : memref<10240x128xf32, #tpu.memory_space<vmem_shared>> -> memref<640x128xf32, #tpu.memory_space<vmem_shared>>
      %dma_start3A_83 = arith.constant 0 : i32
      %dma_start3A_84 = tpu.memref_slice %arg2[%mul3A_0, %dma_start3A_83] : memref<10240x128xf32, #tpu.memory_space<hbm>> -> memref<640x128xf32, #tpu.memory_space<hbm>>
      tpu.enqueue_dma source(%dma_start3A_84 : memref<640x128xf32, #tpu.memory_space<hbm>>) target(%dma_start3A_82 : memref<640x128xf32, #tpu.memory_space<vmem_shared>>) target_semaphore(%run_scoped3A : memref<!tpu.dma_semaphore, #tpu.memory_space<semaphore_mem>>)
      %dma_wait3A_85 = arith.constant 0 : i32
      %dma_wait3A_86 = tpu.memref_slice %arg6[%mul3A_0, %dma_wait3A_85] : memref<10240x128xf32, #tpu.memory_space<vmem_shared>> -> memref<640x128xf32, #tpu.memory_space<vmem_shared>>
      %dma_wait3A_87 = arith.constant 0 : i32
      %dma_wait3A_88 = tpu.memref_slice %arg2[%mul3A_0, %dma_wait3A_87] : memref<10240x128xf32, #tpu.memory_space<hbm>> -> memref<640x128xf32, #tpu.memory_space<hbm>>
      tpu.wait_dma2 semaphore(%run_scoped3A : memref<!tpu.dma_semaphore, #tpu.memory_space<semaphore_mem>>) src(%dma_wait3A_88 : memref<640x128xf32, #tpu.memory_space<hbm>>) dst(%dma_wait3A_86 : memref<640x128xf32, #tpu.memory_space<vmem_shared>>)
      tpu.yield
    }) : () -> ()
    %barrier3A = arith.constant 0 : index
    tpu.barrier barrier_id(%barrier3A)
    %dma_start3A = arith.constant 0 : i32
    %dma_start3A_30 = arith.constant 0 : i32
    %dma_start3A_31 = arith.constant 0 : i32
    %dma_start3A_32 = arith.constant 0 : i32
    %dma_start3A_33 = tpu.memref_slice %arg9[%dma_start3A, %dma_start3A_31, %dma_start3A_32] : memref<3x64x128xf32, #tpu.memory_space<vmem>> -> memref<1x64x128xf32, #tpu.memory_space<vmem>>
    %dma_start3A_34 = tpu.memref_squeeze %dma_start3A_33 : memref<1x64x128xf32, #tpu.memory_space<vmem>> -> memref<64x128xf32, #tpu.memory_space<vmem>>
    %dma_start3A_35 = arith.constant 0 : i32
    %dma_start3A_36 = tpu.memref_slice %arg7[%dma_start3A_35] : memref<13184xi32, #tpu.memory_space<vmem>> -> memref<64xi32, #tpu.memory_space<vmem>>
    %dma_start3A_37 = arith.constant 0 : i32
    %dma_start3A_38 = arith.constant 0 : i32
    %dma_start3A_39 = tpu.memref_slice %arg2[%dma_start3A_37, %dma_start3A_38] : memref<10240x128xf32, #tpu.memory_space<hbm>> -> memref<10240x128xf32, #tpu.memory_space<hbm>>
    %dma_start3A_40 = tpu.memref_slice %arg11[%dma_start3A_30] : memref<3x!tpu.dma_semaphore, #tpu.memory_space<semaphore_mem>> -> memref<1x!tpu.dma_semaphore, #tpu.memory_space<semaphore_mem>>
    %dma_start3A_41 = tpu.memref_squeeze %dma_start3A_40 : memref<1x!tpu.dma_semaphore, #tpu.memory_space<semaphore_mem>> -> memref<!tpu.dma_semaphore, #tpu.memory_space<semaphore_mem>>
    tpu.enqueue_indirect_dma source(%dma_start3A_39 : memref<10240x128xf32, #tpu.memory_space<hbm>>) target(%dma_start3A_34 : memref<64x128xf32, #tpu.memory_space<vmem>>) offsets(%dma_start3A_36 : memref<64xi32, #tpu.memory_space<vmem>>) semaphore(%dma_start3A_41 : memref<!tpu.dma_semaphore, #tpu.memory_space<semaphore_mem>>)
    %dma_start3A_42 = arith.constant 1 : i32
    %dma_start3A_43 = arith.constant 1 : i32
    %dma_start3A_44 = arith.constant 0 : i32
    %dma_start3A_45 = arith.constant 0 : i32
    %dma_start3A_46 = tpu.memref_slice %arg9[%dma_start3A_42, %dma_start3A_44, %dma_start3A_45] : memref<3x64x128xf32, #tpu.memory_space<vmem>> -> memref<1x64x128xf32, #tpu.memory_space<vmem>>
    %dma_start3A_47 = tpu.memref_squeeze %dma_start3A_46 : memref<1x64x128xf32, #tpu.memory_space<vmem>> -> memref<64x128xf32, #tpu.memory_space<vmem>>
    %dma_start3A_48 = arith.constant 64 : i32
    %dma_start3A_49 = tpu.memref_slice %arg7[%dma_start3A_48] : memref<13184xi32, #tpu.memory_space<vmem>> -> memref<64xi32, #tpu.memory_space<vmem>>
    %dma_start3A_50 = arith.constant 0 : i32
    %dma_start3A_51 = arith.constant 0 : i32
    %dma_start3A_52 = tpu.memref_slice %arg2[%dma_start3A_50, %dma_start3A_51] : memref<10240x128xf32, #tpu.memory_space<hbm>> -> memref<10240x128xf32, #tpu.memory_space<hbm>>
    %dma_start3A_53 = tpu.memref_slice %arg11[%dma_start3A_43] : memref<3x!tpu.dma_semaphore, #tpu.memory_space<semaphore_mem>> -> memref<1x!tpu.dma_semaphore, #tpu.memory_space<semaphore_mem>>
    %dma_start3A_54 = tpu.memref_squeeze %dma_start3A_53 : memref<1x!tpu.dma_semaphore, #tpu.memory_space<semaphore_mem>> -> memref<!tpu.dma_semaphore, #tpu.memory_space<semaphore_mem>>
    tpu.enqueue_indirect_dma source(%dma_start3A_52 : memref<10240x128xf32, #tpu.memory_space<hbm>>) target(%dma_start3A_47 : memref<64x128xf32, #tpu.memory_space<vmem>>) offsets(%dma_start3A_49 : memref<64xi32, #tpu.memory_space<vmem>>) semaphore(%dma_start3A_54 : memref<!tpu.dma_semaphore, #tpu.memory_space<semaphore_mem>>)
    %while3A = arith.constant 0 : i32
    %while3A_55 = arith.constant 0 : i32
    %while3A_56 = arith.constant 1 : i32
    %while3A_57 = arith.constant 2 : i32
    %while3A_58 = arith.subi %select_n3A_10, %while3A : i32
    %while3A_59 = arith.addi %while3A, %while3A_58 : i32
    %while3A_60 = arith.constant 1 : i32
    %while3A_61 = arith.divsi %while3A_58, %while3A_60 : i32
    %while3A_62 = arith.muli %while3A_61, %while3A_60 : i32
    %while3A_63 = arith.addi %while3A, %while3A_62 : i32
    %while3A_64 = arith.constant 1 : i32
    %while3A_65:3 = scf.for %while3A_81 = %while3A to %while3A_63 step %while3A_64 iter_args(%while3A_82 = %while3A_55, %while3A_83 = %while3A_56, %while3A_84 = %while3A_57) -> (i32, i32, i32)  : i32 {
      %mul3A_85 = arith.constant 64 : i32
      %mul3A_86 = arith.muli %while3A_81, %mul3A_85 : i32
      %dma_wait3A_87 = arith.constant 0 : i32
      %dma_wait3A_88 = arith.constant 0 : i32
      %dma_wait3A_89 = tpu.memref_slice %arg9[%while3A_82, %dma_wait3A_87, %dma_wait3A_88] : memref<3x64x128xf32, #tpu.memory_space<vmem>> -> memref<1x64x128xf32, #tpu.memory_space<vmem>>
      %dma_wait3A_90 = tpu.memref_squeeze %dma_wait3A_89 : memref<1x64x128xf32, #tpu.memory_space<vmem>> -> memref<64x128xf32, #tpu.memory_space<vmem>>
      %dma_wait3A_91 = tpu.memref_slice %arg7[%mul3A_86] : memref<13184xi32, #tpu.memory_space<vmem>> -> memref<64xi32, #tpu.memory_space<vmem>>
      %dma_wait3A_92 = arith.constant 0 : i32
      %dma_wait3A_93 = arith.constant 0 : i32
      %dma_wait3A_94 = tpu.memref_slice %arg2[%dma_wait3A_92, %dma_wait3A_93] : memref<10240x128xf32, #tpu.memory_space<hbm>> -> memref<10240x128xf32, #tpu.memory_space<hbm>>
      %dma_wait3A_95 = tpu.memref_slice %arg11[%while3A_82] : memref<3x!tpu.dma_semaphore, #tpu.memory_space<semaphore_mem>> -> memref<1x!tpu.dma_semaphore, #tpu.memory_space<semaphore_mem>>
      %dma_wait3A_96 = tpu.memref_squeeze %dma_wait3A_95 : memref<1x!tpu.dma_semaphore, #tpu.memory_space<semaphore_mem>> -> memref<!tpu.dma_semaphore, #tpu.memory_space<semaphore_mem>>
      tpu.wait_indirect_dma semaphore(%dma_wait3A_96 : memref<!tpu.dma_semaphore, #tpu.memory_space<semaphore_mem>>) src(%dma_wait3A_94 : memref<10240x128xf32, #tpu.memory_space<hbm>>) dst(%dma_wait3A_90 : memref<64x128xf32, #tpu.memory_space<vmem>>)
      %gt3A = arith.constant 0 : i32
      %gt3A_97 = arith.cmpi sgt, %while3A_81, %gt3A : i32
      %convert_element_type3A = arith.extui %gt3A_97 : i1 to i32
      %cond3A = arith.constant 0 : i32
      %cond3A_98 = arith.cmpi ne, %convert_element_type3A, %cond3A : i32
      scf.if %cond3A_98 {
        %dma_wait3A_151 = arith.constant 0 : i32
        %dma_wait3A_152 = arith.constant 0 : i32
        %dma_wait3A_153 = arith.constant 0 : i32
        %dma_wait3A_154 = tpu.memref_slice %arg9[%while3A_84, %dma_wait3A_152, %dma_wait3A_153] : memref<3x64x128xf32, #tpu.memory_space<vmem>> -> memref<1x64x128xf32, #tpu.memory_space<vmem>>
        %dma_wait3A_155 = tpu.memref_squeeze %dma_wait3A_154 : memref<1x64x128xf32, #tpu.memory_space<vmem>> -> memref<64x128xf32, #tpu.memory_space<vmem>>
        %dma_wait3A_156 = arith.constant 0 : i32
        %dma_wait3A_157 = tpu.memref_slice %arg10[%while3A_84, %dma_wait3A_151, %dma_wait3A_156] : memref<3x1x64xi32, #tpu.memory_space<vmem>> -> memref<1x1x64xi32, #tpu.memory_space<vmem>>
        %dma_wait3A_158 = tpu.memref_squeeze %dma_wait3A_157 : memref<1x1x64xi32, #tpu.memory_space<vmem>> -> memref<64xi32, #tpu.memory_space<vmem>>
        %dma_wait3A_159 = arith.constant 0 : i32
        %dma_wait3A_160 = arith.constant 0 : i32
        %dma_wait3A_161 = tpu.memref_slice %arg6[%dma_wait3A_159, %dma_wait3A_160] : memref<10240x128xf32, #tpu.memory_space<vmem_shared>> -> memref<10240x128xf32, #tpu.memory_space<vmem_shared>>
        %dma_wait3A_162 = tpu.memref_slice %arg12[%while3A_84] : memref<3x!tpu.dma_semaphore, #tpu.memory_space<semaphore_mem>> -> memref<1x!tpu.dma_semaphore, #tpu.memory_space<semaphore_mem>>
        %dma_wait3A_163 = tpu.memref_squeeze %dma_wait3A_162 : memref<1x!tpu.dma_semaphore, #tpu.memory_space<semaphore_mem>> -> memref<!tpu.dma_semaphore, #tpu.memory_space<semaphore_mem>>
        tpu.wait_indirect_dma semaphore(%dma_wait3A_163 : memref<!tpu.dma_semaphore, #tpu.memory_space<semaphore_mem>>) src(%dma_wait3A_155 : memref<64x128xf32, #tpu.memory_space<vmem>>) dst(%dma_wait3A_161 : memref<10240x128xf32, #tpu.memory_space<vmem_shared>>)
      } else {
      }
      %sub3A_99 = arith.constant 2 : i32
      %sub3A_100 = arith.subi %select_n3A_10, %sub3A_99 : i32
      %lt3A = arith.cmpi slt, %while3A_81, %sub3A_100 : i32
      %convert_element_type3A_101 = arith.extui %lt3A : i1 to i32
      %cond3A_102 = arith.constant 0 : i32
      %cond3A_103 = arith.cmpi ne, %convert_element_type3A_101, %cond3A_102 : i32
      scf.if %cond3A_103 {
        %add3A_151 = arith.constant 2 : i32
        %add3A_152 = arith.addi %while3A_81, %add3A_151 : i32
        %mul3A_153 = arith.constant 64 : i32
        %mul3A_154 = arith.muli %add3A_152, %mul3A_153 : i32
        %dma_start3A_155 = arith.constant 0 : i32
        %dma_start3A_156 = arith.constant 0 : i32
        %dma_start3A_157 = tpu.memref_slice %arg9[%while3A_84, %dma_start3A_155, %dma_start3A_156] : memref<3x64x128xf32, #tpu.memory_space<vmem>> -> memref<1x64x128xf32, #tpu.memory_space<vmem>>
        %dma_start3A_158 = tpu.memref_squeeze %dma_start3A_157 : memref<1x64x128xf32, #tpu.memory_space<vmem>> -> memref<64x128xf32, #tpu.memory_space<vmem>>
        %dma_start3A_159 = tpu.memref_slice %arg7[%mul3A_154] : memref<13184xi32, #tpu.memory_space<vmem>> -> memref<64xi32, #tpu.memory_space<vmem>>
        %dma_start3A_160 = arith.constant 0 : i32
        %dma_start3A_161 = arith.constant 0 : i32
        %dma_start3A_162 = tpu.memref_slice %arg2[%dma_start3A_160, %dma_start3A_161] : memref<10240x128xf32, #tpu.memory_space<hbm>> -> memref<10240x128xf32, #tpu.memory_space<hbm>>
        %dma_start3A_163 = tpu.memref_slice %arg11[%while3A_84] : memref<3x!tpu.dma_semaphore, #tpu.memory_space<semaphore_mem>> -> memref<1x!tpu.dma_semaphore, #tpu.memory_space<semaphore_mem>>
        %dma_start3A_164 = tpu.memref_squeeze %dma_start3A_163 : memref<1x!tpu.dma_semaphore, #tpu.memory_space<semaphore_mem>> -> memref<!tpu.dma_semaphore, #tpu.memory_space<semaphore_mem>>
        tpu.enqueue_indirect_dma source(%dma_start3A_162 : memref<10240x128xf32, #tpu.memory_space<hbm>>) target(%dma_start3A_158 : memref<64x128xf32, #tpu.memory_space<vmem>>) offsets(%dma_start3A_159 : memref<64xi32, #tpu.memory_space<vmem>>) semaphore(%dma_start3A_164 : memref<!tpu.dma_semaphore, #tpu.memory_space<semaphore_mem>>)
      } else {
      }
      %mul3A_104 = arith.constant 32 : i32
      %mul3A_105 = arith.muli %while3A_81, %mul3A_104 : i32
      %add3A_106 = arith.constant 0 : i32
      %add3A_107 = arith.addi %mul3A_105, %add3A_106 : i32
      %get3A = arith.index_cast %add3A_107 : i32 to index
      %get3A_108 = tpu.vector_load %arg8[%get3A] {strides = array<i32>} : memref<6592xi32, #tpu.memory_space<vmem>>, vector<16xi32>,
      %bitcast3A = vector.bitcast %get3A_108 : vector<16xi32> to vector<32xi16>
      %unpack3A = tpu.unpack_subelements %bitcast3A, 0 {pack_format = #tpu.pack_format<interleaved>} : vector<32xi16> -> vector<16xi32>
      %unpack3A_109 = tpu.unpack_subelements %bitcast3A, 1 {pack_format = #tpu.pack_format<interleaved>} : vector<32xi16> -> vector<16xi32>
      %swap3A = arith.constant 0 : i32
      %swap3A_110 = arith.index_cast %while3A_82 : i32 to index
      %swap3A_111 = arith.index_cast %swap3A : i32 to index
      %swap3A_112 = arith.constant 0 : index
      %swap3A_113 = tpu.vector_load %arg10[%swap3A_110, %swap3A_111, %swap3A_112] {strides = array<i32>} : memref<3x1x64xi32, #tpu.memory_space<vmem>>, vector<16xi32>,
      tpu.vector_store %arg10[%swap3A_110, %swap3A_111, %swap3A_112], %unpack3A {strides = array<i32>} : memref<3x1x64xi32, #tpu.memory_space<vmem>>, vector<16xi32>,
      %swap3A_114 = arith.constant 0 : i32
      %swap3A_115 = arith.index_cast %while3A_82 : i32 to index
      %swap3A_116 = arith.index_cast %swap3A_114 : i32 to index
      %swap3A_117 = arith.constant 16 : index
      %swap3A_118 = tpu.vector_load %arg10[%swap3A_115, %swap3A_116, %swap3A_117] {strides = array<i32>} : memref<3x1x64xi32, #tpu.memory_space<vmem>>, vector<16xi32>,
      tpu.vector_store %arg10[%swap3A_115, %swap3A_116, %swap3A_117], %unpack3A_109 {strides = array<i32>} : memref<3x1x64xi32, #tpu.memory_space<vmem>>, vector<16xi32>,
      %mul3A_119 = arith.constant 32 : i32
      %mul3A_120 = arith.muli %while3A_81, %mul3A_119 : i32
      %add3A_121 = arith.constant 16 : i32
      %add3A_122 = arith.addi %mul3A_120, %add3A_121 : i32
      %get3A_123 = arith.index_cast %add3A_122 : i32 to index
      %get3A_124 = tpu.vector_load %arg8[%get3A_123] {strides = array<i32>} : memref<6592xi32, #tpu.memory_space<vmem>>, vector<16xi32>,
      %bitcast3A_125 = vector.bitcast %get3A_124 : vector<16xi32> to vector<32xi16>
      %unpack3A_126 = tpu.unpack_subelements %bitcast3A_125, 0 {pack_format = #tpu.pack_format<interleaved>} : vector<32xi16> -> vector<16xi32>
      %unpack3A_127 = tpu.unpack_subelements %bitcast3A_125, 1 {pack_format = #tpu.pack_format<interleaved>} : vector<32xi16> -> vector<16xi32>
      %swap3A_128 = arith.constant 0 : i32
      %swap3A_129 = arith.index_cast %while3A_82 : i32 to index
      %swap3A_130 = arith.index_cast %swap3A_128 : i32 to index
      %swap3A_131 = arith.constant 32 : index
      %swap3A_132 = tpu.vector_load %arg10[%swap3A_129, %swap3A_130, %swap3A_131] {strides = array<i32>} : memref<3x1x64xi32, #tpu.memory_space<vmem>>, vector<16xi32>,
      tpu.vector_store %arg10[%swap3A_129, %swap3A_130, %swap3A_131], %unpack3A_126 {strides = array<i32>} : memref<3x1x64xi32, #tpu.memory_space<vmem>>, vector<16xi32>,
      %swap3A_133 = arith.constant 0 : i32
      %swap3A_134 = arith.index_cast %while3A_82 : i32 to index
      %swap3A_135 = arith.index_cast %swap3A_133 : i32 to index
      %swap3A_136 = arith.constant 48 : index
      %swap3A_137 = tpu.vector_load %arg10[%swap3A_134, %swap3A_135, %swap3A_136] {strides = array<i32>} : memref<3x1x64xi32, #tpu.memory_space<vmem>>, vector<16xi32>,
      tpu.vector_store %arg10[%swap3A_134, %swap3A_135, %swap3A_136], %unpack3A_127 {strides = array<i32>} : memref<3x1x64xi32, #tpu.memory_space<vmem>>, vector<16xi32>,
      %dma_start3A_138 = arith.constant 0 : i32
      %dma_start3A_139 = arith.constant 0 : i32
      %dma_start3A_140 = arith.constant 0 : i32
      %dma_start3A_141 = tpu.memref_slice %arg9[%while3A_82, %dma_start3A_139, %dma_start3A_140] : memref<3x64x128xf32, #tpu.memory_space<vmem>> -> memref<1x64x128xf32, #tpu.memory_space<vmem>>
      %dma_start3A_142 = tpu.memref_squeeze %dma_start3A_141 : memref<1x64x128xf32, #tpu.memory_space<vmem>> -> memref<64x128xf32, #tpu.memory_space<vmem>>
      %dma_start3A_143 = arith.constant 0 : i32
      %dma_start3A_144 = tpu.memref_slice %arg10[%while3A_82, %dma_start3A_138, %dma_start3A_143] : memref<3x1x64xi32, #tpu.memory_space<vmem>> -> memref<1x1x64xi32, #tpu.memory_space<vmem>>
      %dma_start3A_145 = tpu.memref_squeeze %dma_start3A_144 : memref<1x1x64xi32, #tpu.memory_space<vmem>> -> memref<64xi32, #tpu.memory_space<vmem>>
      %dma_start3A_146 = arith.constant 0 : i32
      %dma_start3A_147 = arith.constant 0 : i32
      %dma_start3A_148 = tpu.memref_slice %arg6[%dma_start3A_146, %dma_start3A_147] : memref<10240x128xf32, #tpu.memory_space<vmem_shared>> -> memref<10240x128xf32, #tpu.memory_space<vmem_shared>>
      %dma_start3A_149 = tpu.memref_slice %arg12[%while3A_82] : memref<3x!tpu.dma_semaphore, #tpu.memory_space<semaphore_mem>> -> memref<1x!tpu.dma_semaphore, #tpu.memory_space<semaphore_mem>>
      %dma_start3A_150 = tpu.memref_squeeze %dma_start3A_149 : memref<1x!tpu.dma_semaphore, #tpu.memory_space<semaphore_mem>> -> memref<!tpu.dma_semaphore, #tpu.memory_space<semaphore_mem>>
      tpu.enqueue_indirect_dma source(%dma_start3A_142 : memref<64x128xf32, #tpu.memory_space<vmem>>) target(%dma_start3A_148 : memref<10240x128xf32, #tpu.memory_space<vmem_shared>>) offsets(%dma_start3A_145 : memref<64xi32, #tpu.memory_space<vmem>>) semaphore(%dma_start3A_150 : memref<!tpu.dma_semaphore, #tpu.memory_space<semaphore_mem>>) {add = true}
      scf.yield %while3A_83, %while3A_84, %while3A_82 : i32, i32, i32
    }
    %while3A_66 = arith.constant 1 : i32
    %while3A_67:3 = scf.for %while3A_81 = %while3A_63 to %while3A_59 step %while3A_66 iter_args(%while3A_82 = %while3A_65#0, %while3A_83 = %while3A_65#1, %while3A_84 = %while3A_65#2) -> (i32, i32, i32)  : i32 {
      %mul3A_85 = arith.constant 64 : i32
      %mul3A_86 = arith.muli %while3A_81, %mul3A_85 : i32
      %dma_wait3A_87 = arith.constant 0 : i32
      %dma_wait3A_88 = arith.constant 0 : i32
      %dma_wait3A_89 = tpu.memref_slice %arg9[%while3A_82, %dma_wait3A_87, %dma_wait3A_88] : memref<3x64x128xf32, #tpu.memory_space<vmem>> -> memref<1x64x128xf32, #tpu.memory_space<vmem>>
      %dma_wait3A_90 = tpu.memref_squeeze %dma_wait3A_89 : memref<1x64x128xf32, #tpu.memory_space<vmem>> -> memref<64x128xf32, #tpu.memory_space<vmem>>
      %dma_wait3A_91 = tpu.memref_slice %arg7[%mul3A_86] : memref<13184xi32, #tpu.memory_space<vmem>> -> memref<64xi32, #tpu.memory_space<vmem>>
      %dma_wait3A_92 = arith.constant 0 : i32
      %dma_wait3A_93 = arith.constant 0 : i32
      %dma_wait3A_94 = tpu.memref_slice %arg2[%dma_wait3A_92, %dma_wait3A_93] : memref<10240x128xf32, #tpu.memory_space<hbm>> -> memref<10240x128xf32, #tpu.memory_space<hbm>>
      %dma_wait3A_95 = tpu.memref_slice %arg11[%while3A_82] : memref<3x!tpu.dma_semaphore, #tpu.memory_space<semaphore_mem>> -> memref<1x!tpu.dma_semaphore, #tpu.memory_space<semaphore_mem>>
      %dma_wait3A_96 = tpu.memref_squeeze %dma_wait3A_95 : memref<1x!tpu.dma_semaphore, #tpu.memory_space<semaphore_mem>> -> memref<!tpu.dma_semaphore, #tpu.memory_space<semaphore_mem>>
      tpu.wait_indirect_dma semaphore(%dma_wait3A_96 : memref<!tpu.dma_semaphore, #tpu.memory_space<semaphore_mem>>) src(%dma_wait3A_94 : memref<10240x128xf32, #tpu.memory_space<hbm>>) dst(%dma_wait3A_90 : memref<64x128xf32, #tpu.memory_space<vmem>>)
      %gt3A = arith.constant 0 : i32
      %gt3A_97 = arith.cmpi sgt, %while3A_81, %gt3A : i32
      %convert_element_type3A = arith.extui %gt3A_97 : i1 to i32
      %cond3A = arith.constant 0 : i32
      %cond3A_98 = arith.cmpi ne, %convert_element_type3A, %cond3A : i32
      scf.if %cond3A_98 {
        %dma_wait3A_151 = arith.constant 0 : i32
        %dma_wait3A_152 = arith.constant 0 : i32
        %dma_wait3A_153 = arith.constant 0 : i32
        %dma_wait3A_154 = tpu.memref_slice %arg9[%while3A_84, %dma_wait3A_152, %dma_wait3A_153] : memref<3x64x128xf32, #tpu.memory_space<vmem>> -> memref<1x64x128xf32, #tpu.memory_space<vmem>>
        %dma_wait3A_155 = tpu.memref_squeeze %dma_wait3A_154 : memref<1x64x128xf32, #tpu.memory_space<vmem>> -> memref<64x128xf32, #tpu.memory_space<vmem>>
        %dma_wait3A_156 = arith.constant 0 : i32
        %dma_wait3A_157 = tpu.memref_slice %arg10[%while3A_84, %dma_wait3A_151, %dma_wait3A_156] : memref<3x1x64xi32, #tpu.memory_space<vmem>> -> memref<1x1x64xi32, #tpu.memory_space<vmem>>
        %dma_wait3A_158 = tpu.memref_squeeze %dma_wait3A_157 : memref<1x1x64xi32, #tpu.memory_space<vmem>> -> memref<64xi32, #tpu.memory_space<vmem>>
        %dma_wait3A_159 = arith.constant 0 : i32
        %dma_wait3A_160 = arith.constant 0 : i32
        %dma_wait3A_161 = tpu.memref_slice %arg6[%dma_wait3A_159, %dma_wait3A_160] : memref<10240x128xf32, #tpu.memory_space<vmem_shared>> -> memref<10240x128xf32, #tpu.memory_space<vmem_shared>>
        %dma_wait3A_162 = tpu.memref_slice %arg12[%while3A_84] : memref<3x!tpu.dma_semaphore, #tpu.memory_space<semaphore_mem>> -> memref<1x!tpu.dma_semaphore, #tpu.memory_space<semaphore_mem>>
        %dma_wait3A_163 = tpu.memref_squeeze %dma_wait3A_162 : memref<1x!tpu.dma_semaphore, #tpu.memory_space<semaphore_mem>> -> memref<!tpu.dma_semaphore, #tpu.memory_space<semaphore_mem>>
        tpu.wait_indirect_dma semaphore(%dma_wait3A_163 : memref<!tpu.dma_semaphore, #tpu.memory_space<semaphore_mem>>) src(%dma_wait3A_155 : memref<64x128xf32, #tpu.memory_space<vmem>>) dst(%dma_wait3A_161 : memref<10240x128xf32, #tpu.memory_space<vmem_shared>>)
      } else {
      }
      %sub3A_99 = arith.constant 2 : i32
      %sub3A_100 = arith.subi %select_n3A_10, %sub3A_99 : i32
      %lt3A = arith.cmpi slt, %while3A_81, %sub3A_100 : i32
      %convert_element_type3A_101 = arith.extui %lt3A : i1 to i32
      %cond3A_102 = arith.constant 0 : i32
      %cond3A_103 = arith.cmpi ne, %convert_element_type3A_101, %cond3A_102 : i32
      scf.if %cond3A_103 {
        %add3A_151 = arith.constant 2 : i32
        %add3A_152 = arith.addi %while3A_81, %add3A_151 : i32
        %mul3A_153 = arith.constant 64 : i32
        %mul3A_154 = arith.muli %add3A_152, %mul3A_153 : i32
        %dma_start3A_155 = arith.constant 0 : i32
        %dma_start3A_156 = arith.constant 0 : i32
        %dma_start3A_157 = tpu.memref_slice %arg9[%while3A_84, %dma_start3A_155, %dma_start3A_156] : memref<3x64x128xf32, #tpu.memory_space<vmem>> -> memref<1x64x128xf32, #tpu.memory_space<vmem>>
        %dma_start3A_158 = tpu.memref_squeeze %dma_start3A_157 : memref<1x64x128xf32, #tpu.memory_space<vmem>> -> memref<64x128xf32, #tpu.memory_space<vmem>>
        %dma_start3A_159 = tpu.memref_slice %arg7[%mul3A_154] : memref<13184xi32, #tpu.memory_space<vmem>> -> memref<64xi32, #tpu.memory_space<vmem>>
        %dma_start3A_160 = arith.constant 0 : i32
        %dma_start3A_161 = arith.constant 0 : i32
        %dma_start3A_162 = tpu.memref_slice %arg2[%dma_start3A_160, %dma_start3A_161] : memref<10240x128xf32, #tpu.memory_space<hbm>> -> memref<10240x128xf32, #tpu.memory_space<hbm>>
        %dma_start3A_163 = tpu.memref_slice %arg11[%while3A_84] : memref<3x!tpu.dma_semaphore, #tpu.memory_space<semaphore_mem>> -> memref<1x!tpu.dma_semaphore, #tpu.memory_space<semaphore_mem>>
        %dma_start3A_164 = tpu.memref_squeeze %dma_start3A_163 : memref<1x!tpu.dma_semaphore, #tpu.memory_space<semaphore_mem>> -> memref<!tpu.dma_semaphore, #tpu.memory_space<semaphore_mem>>
        tpu.enqueue_indirect_dma source(%dma_start3A_162 : memref<10240x128xf32, #tpu.memory_space<hbm>>) target(%dma_start3A_158 : memref<64x128xf32, #tpu.memory_space<vmem>>) offsets(%dma_start3A_159 : memref<64xi32, #tpu.memory_space<vmem>>) semaphore(%dma_start3A_164 : memref<!tpu.dma_semaphore, #tpu.memory_space<semaphore_mem>>)
      } else {
      }
      %mul3A_104 = arith.constant 32 : i32
      %mul3A_105 = arith.muli %while3A_81, %mul3A_104 : i32
      %add3A_106 = arith.constant 0 : i32
      %add3A_107 = arith.addi %mul3A_105, %add3A_106 : i32
      %get3A = arith.index_cast %add3A_107 : i32 to index
      %get3A_108 = tpu.vector_load %arg8[%get3A] {strides = array<i32>} : memref<6592xi32, #tpu.memory_space<vmem>>, vector<16xi32>,
      %bitcast3A = vector.bitcast %get3A_108 : vector<16xi32> to vector<32xi16>
      %unpack3A = tpu.unpack_subelements %bitcast3A, 0 {pack_format = #tpu.pack_format<interleaved>} : vector<32xi16> -> vector<16xi32>
      %unpack3A_109 = tpu.unpack_subelements %bitcast3A, 1 {pack_format = #tpu.pack_format<interleaved>} : vector<32xi16> -> vector<16xi32>
      %swap3A = arith.constant 0 : i32
      %swap3A_110 = arith.index_cast %while3A_82 : i32 to index
      %swap3A_111 = arith.index_cast %swap3A : i32 to index
      %swap3A_112 = arith.constant 0 : index
      %swap3A_113 = tpu.vector_load %arg10[%swap3A_110, %swap3A_111, %swap3A_112] {strides = array<i32>} : memref<3x1x64xi32, #tpu.memory_space<vmem>>, vector<16xi32>,
      tpu.vector_store %arg10[%swap3A_110, %swap3A_111, %swap3A_112], %unpack3A {strides = array<i32>} : memref<3x1x64xi32, #tpu.memory_space<vmem>>, vector<16xi32>,
      %swap3A_114 = arith.constant 0 : i32
      %swap3A_115 = arith.index_cast %while3A_82 : i32 to index
      %swap3A_116 = arith.index_cast %swap3A_114 : i32 to index
      %swap3A_117 = arith.constant 16 : index
      %swap3A_118 = tpu.vector_load %arg10[%swap3A_115, %swap3A_116, %swap3A_117] {strides = array<i32>} : memref<3x1x64xi32, #tpu.memory_space<vmem>>, vector<16xi32>,
      tpu.vector_store %arg10[%swap3A_115, %swap3A_116, %swap3A_117], %unpack3A_109 {strides = array<i32>} : memref<3x1x64xi32, #tpu.memory_space<vmem>>, vector<16xi32>,
      %mul3A_119 = arith.constant 32 : i32
      %mul3A_120 = arith.muli %while3A_81, %mul3A_119 : i32
      %add3A_121 = arith.constant 16 : i32
      %add3A_122 = arith.addi %mul3A_120, %add3A_121 : i32
      %get3A_123 = arith.index_cast %add3A_122 : i32 to index
      %get3A_124 = tpu.vector_load %arg8[%get3A_123] {strides = array<i32>} : memref<6592xi32, #tpu.memory_space<vmem>>, vector<16xi32>,
      %bitcast3A_125 = vector.bitcast %get3A_124 : vector<16xi32> to vector<32xi16>
      %unpack3A_126 = tpu.unpack_subelements %bitcast3A_125, 0 {pack_format = #tpu.pack_format<interleaved>} : vector<32xi16> -> vector<16xi32>
      %unpack3A_127 = tpu.unpack_subelements %bitcast3A_125, 1 {pack_format = #tpu.pack_format<interleaved>} : vector<32xi16> -> vector<16xi32>
      %swap3A_128 = arith.constant 0 : i32
      %swap3A_129 = arith.index_cast %while3A_82 : i32 to index
      %swap3A_130 = arith.index_cast %swap3A_128 : i32 to index
      %swap3A_131 = arith.constant 32 : index
      %swap3A_132 = tpu.vector_load %arg10[%swap3A_129, %swap3A_130, %swap3A_131] {strides = array<i32>} : memref<3x1x64xi32, #tpu.memory_space<vmem>>, vector<16xi32>,
      tpu.vector_store %arg10[%swap3A_129, %swap3A_130, %swap3A_131], %unpack3A_126 {strides = array<i32>} : memref<3x1x64xi32, #tpu.memory_space<vmem>>, vector<16xi32>,
      %swap3A_133 = arith.constant 0 : i32
      %swap3A_134 = arith.index_cast %while3A_82 : i32 to index
      %swap3A_135 = arith.index_cast %swap3A_133 : i32 to index
      %swap3A_136 = arith.constant 48 : index
      %swap3A_137 = tpu.vector_load %arg10[%swap3A_134, %swap3A_135, %swap3A_136] {strides = array<i32>} : memref<3x1x64xi32, #tpu.memory_space<vmem>>, vector<16xi32>,
      tpu.vector_store %arg10[%swap3A_134, %swap3A_135, %swap3A_136], %unpack3A_127 {strides = array<i32>} : memref<3x1x64xi32, #tpu.memory_space<vmem>>, vector<16xi32>,
      %dma_start3A_138 = arith.constant 0 : i32
      %dma_start3A_139 = arith.constant 0 : i32
      %dma_start3A_140 = arith.constant 0 : i32
      %dma_start3A_141 = tpu.memref_slice %arg9[%while3A_82, %dma_start3A_139, %dma_start3A_140] : memref<3x64x128xf32, #tpu.memory_space<vmem>> -> memref<1x64x128xf32, #tpu.memory_space<vmem>>
      %dma_start3A_142 = tpu.memref_squeeze %dma_start3A_141 : memref<1x64x128xf32, #tpu.memory_space<vmem>> -> memref<64x128xf32, #tpu.memory_space<vmem>>
      %dma_start3A_143 = arith.constant 0 : i32
      %dma_start3A_144 = tpu.memref_slice %arg10[%while3A_82, %dma_start3A_138, %dma_start3A_143] : memref<3x1x64xi32, #tpu.memory_space<vmem>> -> memref<1x1x64xi32, #tpu.memory_space<vmem>>
      %dma_start3A_145 = tpu.memref_squeeze %dma_start3A_144 : memref<1x1x64xi32, #tpu.memory_space<vmem>> -> memref<64xi32, #tpu.memory_space<vmem>>
      %dma_start3A_146 = arith.constant 0 : i32
      %dma_start3A_147 = arith.constant 0 : i32
      %dma_start3A_148 = tpu.memref_slice %arg6[%dma_start3A_146, %dma_start3A_147] : memref<10240x128xf32, #tpu.memory_space<vmem_shared>> -> memref<10240x128xf32, #tpu.memory_space<vmem_shared>>
      %dma_start3A_149 = tpu.memref_slice %arg12[%while3A_82] : memref<3x!tpu.dma_semaphore, #tpu.memory_space<semaphore_mem>> -> memref<1x!tpu.dma_semaphore, #tpu.memory_space<semaphore_mem>>
      %dma_start3A_150 = tpu.memref_squeeze %dma_start3A_149 : memref<1x!tpu.dma_semaphore, #tpu.memory_space<semaphore_mem>> -> memref<!tpu.dma_semaphore, #tpu.memory_space<semaphore_mem>>
      tpu.enqueue_indirect_dma source(%dma_start3A_142 : memref<64x128xf32, #tpu.memory_space<vmem>>) target(%dma_start3A_148 : memref<10240x128xf32, #tpu.memory_space<vmem_shared>>) offsets(%dma_start3A_145 : memref<64xi32, #tpu.memory_space<vmem>>) semaphore(%dma_start3A_150 : memref<!tpu.dma_semaphore, #tpu.memory_space<semaphore_mem>>) {add = true}
      scf.yield %while3A_83, %while3A_84, %while3A_82 : i32, i32, i32
    }
    %dma_wait3A = arith.constant 0 : i32
    %dma_wait3A_68 = arith.constant 0 : i32
    %dma_wait3A_69 = arith.constant 0 : i32
    %dma_wait3A_70 = tpu.memref_slice %arg9[%while3A_67#2, %dma_wait3A_68, %dma_wait3A_69] : memref<3x64x128xf32, #tpu.memory_space<vmem>> -> memref<1x64x128xf32, #tpu.memory_space<vmem>>
    %dma_wait3A_71 = tpu.memref_squeeze %dma_wait3A_70 : memref<1x64x128xf32, #tpu.memory_space<vmem>> -> memref<64x128xf32, #tpu.memory_space<vmem>>
    %dma_wait3A_72 = arith.constant 0 : i32
    %dma_wait3A_73 = tpu.memref_slice %arg10[%while3A_67#2, %dma_wait3A, %dma_wait3A_72] : memref<3x1x64xi32, #tpu.memory_space<vmem>> -> memref<1x1x64xi32, #tpu.memory_space<vmem>>
    %dma_wait3A_74 = tpu.memref_squeeze %dma_wait3A_73 : memref<1x1x64xi32, #tpu.memory_space<vmem>> -> memref<64xi32, #tpu.memory_space<vmem>>
    %dma_wait3A_75 = arith.constant 0 : i32
    %dma_wait3A_76 = arith.constant 0 : i32
    %dma_wait3A_77 = tpu.memref_slice %arg6[%dma_wait3A_75, %dma_wait3A_76] : memref<10240x128xf32, #tpu.memory_space<vmem_shared>> -> memref<10240x128xf32, #tpu.memory_space<vmem_shared>>
    %dma_wait3A_78 = tpu.memref_slice %arg12[%while3A_67#2] : memref<3x!tpu.dma_semaphore, #tpu.memory_space<semaphore_mem>> -> memref<1x!tpu.dma_semaphore, #tpu.memory_space<semaphore_mem>>
    %dma_wait3A_79 = tpu.memref_squeeze %dma_wait3A_78 : memref<1x!tpu.dma_semaphore, #tpu.memory_space<semaphore_mem>> -> memref<!tpu.dma_semaphore, #tpu.memory_space<semaphore_mem>>
    tpu.wait_indirect_dma semaphore(%dma_wait3A_79 : memref<!tpu.dma_semaphore, #tpu.memory_space<semaphore_mem>>) src(%dma_wait3A_71 : memref<64x128xf32, #tpu.memory_space<vmem>>) dst(%dma_wait3A_77 : memref<10240x128xf32, #tpu.memory_space<vmem_shared>>)
    %barrier3A_80 = arith.constant 0 : index
    tpu.barrier barrier_id(%barrier3A_80)
    "tpu.region"() ({
      %run_scoped3A = tpu.sem_alloc : memref<!tpu.dma_semaphore, #tpu.memory_space<semaphore_mem>>
      %dma_start3A_81 = arith.constant 0 : i32
      %dma_start3A_82 = tpu.memref_slice %arg5[%arg0, %mul3A_0, %dma_start3A_81] : memref<2x10240x128xf32, #tpu.memory_space<hbm>> -> memref<1x640x128xf32, #tpu.memory_space<hbm>>
      %dma_start3A_83 = tpu.memref_squeeze %dma_start3A_82 : memref<1x640x128xf32, #tpu.memory_space<hbm>> -> memref<640x128xf32, #tpu.memory_space<hbm>>
      %dma_start3A_84 = arith.constant 0 : i32
      %dma_start3A_85 = tpu.memref_slice %arg6[%mul3A_0, %dma_start3A_84] : memref<10240x128xf32, #tpu.memory_space<vmem_shared>> -> memref<640x128xf32, #tpu.memory_space<vmem_shared>>
      tpu.enqueue_dma source(%dma_start3A_85 : memref<640x128xf32, #tpu.memory_space<vmem_shared>>) target(%dma_start3A_83 : memref<640x128xf32, #tpu.memory_space<hbm>>) target_semaphore(%run_scoped3A : memref<!tpu.dma_semaphore, #tpu.memory_space<semaphore_mem>>)
      %dma_wait3A_86 = arith.constant 0 : i32
      %dma_wait3A_87 = tpu.memref_slice %arg5[%arg0, %mul3A_0, %dma_wait3A_86] : memref<2x10240x128xf32, #tpu.memory_space<hbm>> -> memref<1x640x128xf32, #tpu.memory_space<hbm>>
      %dma_wait3A_88 = tpu.memref_squeeze %dma_wait3A_87 : memref<1x640x128xf32, #tpu.memory_space<hbm>> -> memref<640x128xf32, #tpu.memory_space<hbm>>
      %dma_wait3A_89 = arith.constant 0 : i32
      %dma_wait3A_90 = tpu.memref_slice %arg6[%mul3A_0, %dma_wait3A_89] : memref<10240x128xf32, #tpu.memory_space<vmem_shared>> -> memref<640x128xf32, #tpu.memory_space<vmem_shared>>
      tpu.wait_dma2 semaphore(%run_scoped3A : memref<!tpu.dma_semaphore, #tpu.memory_space<semaphore_mem>>) src(%dma_wait3A_90 : memref<640x128xf32, #tpu.memory_space<vmem_shared>>) dst(%dma_wait3A_88 : memref<640x128xf32, #tpu.memory_space<hbm>>)
      tpu.yield
    }) : () -> ()
    return
  }
}

module attributes {stable_mosaic.version = 14 : i64} {
  func.func @body(%arg0: i32, %arg1: memref<32x1024xf32, #tpu.memory_space<vmem>>, %arg2: memref<1024x128xf32, #tpu.memory_space<vmem>>, %arg3: memref<128x128xf32, #tpu.memory_space<vmem>>, %arg4: memref<1024x128xf32, #tpu.memory_space<vmem>>, %arg5: memref<1024x1xf32, #tpu.memory_space<vmem>>) attributes {dimension_semantics = [#tpu.dimension_semantics<arbitrary>], iteration_bounds = array<i64: 10>, scalar_prefetch = 0 : i64, scratch_operands = 0 : i64, tpu.core_type = #tpu.core_type<tc>, window_params = [{transform_indices = @transform_0, window_bounds = array<i64: 32, 1024>}, {transform_indices = @transform_1, window_bounds = array<i64: 1024, 128>}, {pipeline_mode = #tpu.pipeline_mode<synchronous>, transform_indices = @transform_2, window_bounds = array<i64: 128, 128>}, {transform_indices = @transform_3, window_bounds = array<i64: 1024, 128>}, {transform_indices = @transform_4, window_bounds = array<i64: 1024, 1>}]} {
    %get3A = arith.constant 0 : index
    %get3A_0 = arith.constant 0 : index
    %get3A_1 = vector.load %arg1[%get3A, %get3A_0] : memref<32x1024xf32, #tpu.memory_space<vmem>>, vector<32x1024xf32>
    %reduce_sum3A = arith.constant dense<0.000000e+00> : vector<1024xf32>
    %reduce_sum3A_2 = vector.multi_reduction <add>, %get3A_1, %reduce_sum3A [0] : vector<32x1024xf32> to vector<1024xf32>
    %broadcast_in_dim3A = vector.shape_cast %reduce_sum3A_2 : vector<1024xf32> to vector<1x1024xf32>
    %add3A = arith.constant 1.000000e+00 : f32
    %add3A_3 = vector.broadcast %add3A : f32 to vector<1x1024xf32>
    %add3A_4 = arith.addf %broadcast_in_dim3A, %add3A_3 : vector<1x1024xf32>
    %rsqrt3A = math.rsqrt %add3A_4 : vector<1x1024xf32>
    %reshape3A = vector.shape_cast %rsqrt3A : vector<1x1024xf32> to vector<1024x1xf32>
    %get3A_5 = arith.constant 0 : index
    %get3A_6 = arith.constant 0 : index
    %get3A_7 = vector.load %arg2[%get3A_5, %get3A_6] : memref<1024x128xf32, #tpu.memory_space<vmem>>, vector<1024x128xf32>
    %get3A_8 = arith.constant 0 : index
    %get3A_9 = arith.constant 0 : index
    %get3A_10 = vector.load %arg3[%get3A_8, %get3A_9] : memref<128x128xf32, #tpu.memory_space<vmem>>, vector<128x128xf32>
    %dot_general3A = arith.constant dense<0.000000e+00> : vector<1024x128xf32>
    %dot_general3A_11 = tpu.matmul %get3A_7, %get3A_10, %dot_general3A {dimension_numbers = #tpu.dot_dimension_numbers<[1], [0], [0], [1], [0, 0, 1, 1], [], []>, transpose_lhs_hint = false} : vector<1024x128xf32>, vector<128x128xf32>, vector<1024x128xf32> -> vector<1024x128xf32>
    %mul3A = vector.broadcast %reshape3A : vector<1024x1xf32> to vector<1024x128xf32>
    %mul3A_12 = arith.mulf %mul3A, %dot_general3A_11 : vector<1024x128xf32>
    %swap3A = arith.constant 0 : index
    %swap3A_13 = arith.constant 0 : index
    %swap3A_14 = vector.load %arg4[%swap3A, %swap3A_13] : memref<1024x128xf32, #tpu.memory_space<vmem>>, vector<1024x128xf32>
    tpu.vector_store %arg4[%swap3A, %swap3A_13], %mul3A_12 {strides = array<i32>} : memref<1024x128xf32, #tpu.memory_space<vmem>>, vector<1024x128xf32>,
    %swap3A_15 = arith.constant 0 : index
    %swap3A_16 = arith.constant 0 : index
    %swap3A_17 = vector.load %arg5[%swap3A_15, %swap3A_16] : memref<1024x1xf32, #tpu.memory_space<vmem>>, vector<1024x1xf32>
    tpu.vector_store %arg5[%swap3A_15, %swap3A_16], %reshape3A {strides = array<i32>} : memref<1024x1xf32, #tpu.memory_space<vmem>>, vector<1024x1xf32>,
    return
  }
  func.func @transform_0(%arg0: i32) -> (i32, i32) {
    %c0_i32 = arith.constant 0 : i32
    %c0_i32_0 = arith.constant 0 : i32
    return %c0_i32, %arg0 : i32, i32
  }
  func.func @transform_1(%arg0: i32) -> (i32, i32) {
    %c0_i32 = arith.constant 0 : i32
    %c0_i32_0 = arith.constant 0 : i32
    return %arg0, %c0_i32 : i32, i32
  }
  func.func @transform_2(%arg0: i32) -> (i32, i32) {
    %c0_i32 = arith.constant 0 : i32
    %c0_i32_0 = arith.constant 0 : i32
    %c0_i32_1 = arith.constant 0 : i32
    return %c0_i32, %c0_i32_0 : i32, i32
  }
  func.func @transform_3(%arg0: i32) -> (i32, i32) {
    %c0_i32 = arith.constant 0 : i32
    %c0_i32_0 = arith.constant 0 : i32
    return %arg0, %c0_i32 : i32, i32
  }
  func.func @transform_4(%arg0: i32) -> (i32, i32) {
    %c0_i32 = arith.constant 0 : i32
    %c0_i32_0 = arith.constant 0 : i32
    return %arg0, %c0_i32 : i32, i32
  }
}

module attributes {stable_mosaic.version = 14 : i64} {
  func.func @body(%arg0: i32, %arg1: memref<1024x128xf32, #tpu.memory_space<vmem>>, %arg2: memref<1024x128xf32, #tpu.memory_space<vmem>>, %arg3: memref<1024x128xf32, #tpu.memory_space<vmem>>, %arg4: memref<1024x1xf32, #tpu.memory_space<vmem>>, %arg5: memref<1x128xf32, #tpu.memory_space<vmem>>, %arg6: memref<128x128xf32, #tpu.memory_space<vmem>>, %arg7: memref<1024x128xf32, #tpu.memory_space<vmem>>) attributes {dimension_semantics = [#tpu.dimension_semantics<arbitrary>], iteration_bounds = array<i64: 10>, scalar_prefetch = 0 : i64, scratch_operands = 0 : i64, tpu.core_type = #tpu.core_type<tc>, window_params = [{transform_indices = @transform_0, window_bounds = array<i64: 1024, 128>}, {transform_indices = @transform_1, window_bounds = array<i64: 1024, 128>}, {transform_indices = @transform_2, window_bounds = array<i64: 1024, 128>}, {transform_indices = @transform_3, window_bounds = array<i64: 1024, 1>}, {pipeline_mode = #tpu.pipeline_mode<synchronous>, transform_indices = @transform_4, window_bounds = array<i64: 1, 128>}, {pipeline_mode = #tpu.pipeline_mode<synchronous>, transform_indices = @transform_5, window_bounds = array<i64: 128, 128>}, {transform_indices = @transform_6, window_bounds = array<i64: 1024, 128>}]} {
    %get3A = arith.constant 0 : index
    %get3A_0 = arith.constant 0 : index
    %get3A_1 = vector.load %arg4[%get3A, %get3A_0] : memref<1024x1xf32, #tpu.memory_space<vmem>>, vector<1024x1xf32>
    %get3A_2 = arith.constant 0 : index
    %get3A_3 = arith.constant 0 : index
    %get3A_4 = vector.load %arg1[%get3A_2, %get3A_3] : memref<1024x128xf32, #tpu.memory_space<vmem>>, vector<1024x128xf32>
    %get3A_5 = arith.constant 0 : index
    %get3A_6 = arith.constant 0 : index
    %get3A_7 = vector.load %arg2[%get3A_5, %get3A_6] : memref<1024x128xf32, #tpu.memory_space<vmem>>, vector<1024x128xf32>
    %add3A = arith.addf %get3A_4, %get3A_7 : vector<1024x128xf32>
    %get3A_8 = arith.constant 0 : index
    %get3A_9 = arith.constant 0 : index
    %get3A_10 = vector.load %arg3[%get3A_8, %get3A_9] : memref<1024x128xf32, #tpu.memory_space<vmem>>, vector<1024x128xf32>
    %sub3A = arith.subf %add3A, %get3A_10 : vector<1024x128xf32>
    %mul3A = vector.broadcast %get3A_1 : vector<1024x1xf32> to vector<1024x128xf32>
    %mul3A_11 = arith.mulf %mul3A, %sub3A : vector<1024x128xf32>
    %get3A_12 = arith.constant 0 : index
    %get3A_13 = arith.constant 0 : index
    %get3A_14 = vector.load %arg5[%get3A_12, %get3A_13] : memref<1x128xf32, #tpu.memory_space<vmem>>, vector<1x128xf32>
    %add3A_15 = vector.broadcast %get3A_14 : vector<1x128xf32> to vector<1024x128xf32>
    %add3A_16 = arith.addf %mul3A_11, %add3A_15 : vector<1024x128xf32>
    %max3A = arith.constant 0.000000e+00 : f32
    %max3A_17 = vector.broadcast %max3A : f32 to vector<1024x128xf32>
    %max3A_18 = arith.maximumf %add3A_16, %max3A_17 : vector<1024x128xf32>
    %get3A_19 = arith.constant 0 : index
    %get3A_20 = arith.constant 0 : index
    %get3A_21 = vector.load %arg6[%get3A_19, %get3A_20] : memref<128x128xf32, #tpu.memory_space<vmem>>, vector<128x128xf32>
    %dot_general3A = arith.constant dense<0.000000e+00> : vector<1024x128xf32>
    %dot_general3A_22 = tpu.matmul %max3A_18, %get3A_21, %dot_general3A {dimension_numbers = #tpu.dot_dimension_numbers<[1], [0], [0], [1], [0, 0, 1, 1], [], []>, transpose_lhs_hint = false} : vector<1024x128xf32>, vector<128x128xf32>, vector<1024x128xf32> -> vector<1024x128xf32>
    %mul3A_23 = vector.broadcast %get3A_1 : vector<1024x1xf32> to vector<1024x128xf32>
    %mul3A_24 = arith.mulf %mul3A_23, %dot_general3A_22 : vector<1024x128xf32>
    %swap3A = arith.constant 0 : index
    %swap3A_25 = arith.constant 0 : index
    %swap3A_26 = vector.load %arg7[%swap3A, %swap3A_25] : memref<1024x128xf32, #tpu.memory_space<vmem>>, vector<1024x128xf32>
    tpu.vector_store %arg7[%swap3A, %swap3A_25], %mul3A_24 {strides = array<i32>} : memref<1024x128xf32, #tpu.memory_space<vmem>>, vector<1024x128xf32>,
    return
  }
  func.func @transform_0(%arg0: i32) -> (i32, i32) {
    %c0_i32 = arith.constant 0 : i32
    %c0_i32_0 = arith.constant 0 : i32
    return %arg0, %c0_i32 : i32, i32
  }
  func.func @transform_1(%arg0: i32) -> (i32, i32) {
    %c0_i32 = arith.constant 0 : i32
    %c0_i32_0 = arith.constant 0 : i32
    return %arg0, %c0_i32 : i32, i32
  }
  func.func @transform_2(%arg0: i32) -> (i32, i32) {
    %c0_i32 = arith.constant 0 : i32
    %c0_i32_0 = arith.constant 0 : i32
    return %arg0, %c0_i32 : i32, i32
  }
  func.func @transform_3(%arg0: i32) -> (i32, i32) {
    %c0_i32 = arith.constant 0 : i32
    %c0_i32_0 = arith.constant 0 : i32
    return %arg0, %c0_i32 : i32, i32
  }
  func.func @transform_4(%arg0: i32) -> (i32, i32) {
    %c0_i32 = arith.constant 0 : i32
    %c0_i32_0 = arith.constant 0 : i32
    %c0_i32_1 = arith.constant 0 : i32
    return %c0_i32, %c0_i32_0 : i32, i32
  }
  func.func @transform_5(%arg0: i32) -> (i32, i32) {
    %c0_i32 = arith.constant 0 : i32
    %c0_i32_0 = arith.constant 0 : i32
    %c0_i32_1 = arith.constant 0 : i32
    return %c0_i32, %c0_i32_0 : i32, i32
  }
  func.func @transform_6(%arg0: i32) -> (i32, i32) {
    %c0_i32 = arith.constant 0 : i32
    %c0_i32_0 = arith.constant 0 : i32
    return %arg0, %c0_i32 : i32, i32
  }
}

module attributes {stable_mosaic.version = 14 : i64} {
  func.func @body(%arg0: i32, %arg1: memref<1024x128xf32, #tpu.memory_space<vmem>>, %arg2: memref<1024x128xf32, #tpu.memory_space<vmem>>, %arg3: memref<1024x128xf32, #tpu.memory_space<vmem>>, %arg4: memref<1024x1xf32, #tpu.memory_space<vmem>>, %arg5: memref<1x128xf32, #tpu.memory_space<vmem>>, %arg6: memref<1024x128xf32, #tpu.memory_space<vmem>>) attributes {dimension_semantics = [#tpu.dimension_semantics<arbitrary>], iteration_bounds = array<i64: 10>, scalar_prefetch = 0 : i64, scratch_operands = 0 : i64, tpu.core_type = #tpu.core_type<tc>, window_params = [{transform_indices = @transform_0, window_bounds = array<i64: 1024, 128>}, {transform_indices = @transform_1, window_bounds = array<i64: 1024, 128>}, {transform_indices = @transform_2, window_bounds = array<i64: 1024, 128>}, {transform_indices = @transform_3, window_bounds = array<i64: 1024, 1>}, {pipeline_mode = #tpu.pipeline_mode<synchronous>, transform_indices = @transform_4, window_bounds = array<i64: 1, 128>}, {transform_indices = @transform_5, window_bounds = array<i64: 1024, 128>}]} {
    %get3A = arith.constant 0 : index
    %get3A_0 = arith.constant 0 : index
    %get3A_1 = vector.load %arg4[%get3A, %get3A_0] : memref<1024x1xf32, #tpu.memory_space<vmem>>, vector<1024x1xf32>
    %get3A_2 = arith.constant 0 : index
    %get3A_3 = arith.constant 0 : index
    %get3A_4 = vector.load %arg1[%get3A_2, %get3A_3] : memref<1024x128xf32, #tpu.memory_space<vmem>>, vector<1024x128xf32>
    %get3A_5 = arith.constant 0 : index
    %get3A_6 = arith.constant 0 : index
    %get3A_7 = vector.load %arg2[%get3A_5, %get3A_6] : memref<1024x128xf32, #tpu.memory_space<vmem>>, vector<1024x128xf32>
    %add3A = arith.addf %get3A_4, %get3A_7 : vector<1024x128xf32>
    %get3A_8 = arith.constant 0 : index
    %get3A_9 = arith.constant 0 : index
    %get3A_10 = vector.load %arg3[%get3A_8, %get3A_9] : memref<1024x128xf32, #tpu.memory_space<vmem>>, vector<1024x128xf32>
    %sub3A = arith.subf %add3A, %get3A_10 : vector<1024x128xf32>
    %mul3A = vector.broadcast %get3A_1 : vector<1024x1xf32> to vector<1024x128xf32>
    %mul3A_11 = arith.mulf %mul3A, %sub3A : vector<1024x128xf32>
    %get3A_12 = arith.constant 0 : index
    %get3A_13 = arith.constant 0 : index
    %get3A_14 = vector.load %arg5[%get3A_12, %get3A_13] : memref<1x128xf32, #tpu.memory_space<vmem>>, vector<1x128xf32>
    %add3A_15 = vector.broadcast %get3A_14 : vector<1x128xf32> to vector<1024x128xf32>
    %add3A_16 = arith.addf %mul3A_11, %add3A_15 : vector<1024x128xf32>
    %swap3A = arith.constant 0 : index
    %swap3A_17 = arith.constant 0 : index
    %swap3A_18 = vector.load %arg6[%swap3A, %swap3A_17] : memref<1024x128xf32, #tpu.memory_space<vmem>>, vector<1024x128xf32>
    tpu.vector_store %arg6[%swap3A, %swap3A_17], %add3A_16 {strides = array<i32>} : memref<1024x128xf32, #tpu.memory_space<vmem>>, vector<1024x128xf32>,
    return
  }
  func.func @transform_0(%arg0: i32) -> (i32, i32) {
    %c0_i32 = arith.constant 0 : i32
    %c0_i32_0 = arith.constant 0 : i32
    return %arg0, %c0_i32 : i32, i32
  }
  func.func @transform_1(%arg0: i32) -> (i32, i32) {
    %c0_i32 = arith.constant 0 : i32
    %c0_i32_0 = arith.constant 0 : i32
    return %arg0, %c0_i32 : i32, i32
  }
  func.func @transform_2(%arg0: i32) -> (i32, i32) {
    %c0_i32 = arith.constant 0 : i32
    %c0_i32_0 = arith.constant 0 : i32
    return %arg0, %c0_i32 : i32, i32
  }
  func.func @transform_3(%arg0: i32) -> (i32, i32) {
    %c0_i32 = arith.constant 0 : i32
    %c0_i32_0 = arith.constant 0 : i32
    return %arg0, %c0_i32 : i32, i32
  }
  func.func @transform_4(%arg0: i32) -> (i32, i32) {
    %c0_i32 = arith.constant 0 : i32
    %c0_i32_0 = arith.constant 0 : i32
    %c0_i32_1 = arith.constant 0 : i32
    return %c0_i32, %c0_i32_0 : i32, i32
  }
  func.func @transform_5(%arg0: i32) -> (i32, i32) {
    %c0_i32 = arith.constant 0 : i32
    %c0_i32_0 = arith.constant 0 : i32
    return %arg0, %c0_i32 : i32, i32
  }
}

</mosaic_0001>

<sc_bundles>
// kernel: kernel.11.cloned.1.call-start
scs
__scs_entry_jumppad:
0x0: {  	(pc) =	sbr.rel $0x88, $3  }
0x1: {  	(tag) =	ssettag $0x0;
	lr =	simm.s32 $0x1  }
0x2: {  	[smem:$0x3F9B] =	sst lr;
	_ =	strace $0xD0000000  }
0x3: {  	_ = 	snop  }
0x4: {  	_ = 	snop  }
0x5: {  	_ = 	snop  }
0x6: {  	_ = 	snop  }
0x7: {  	_ = 	snop  }
__scs_overlays_trampoline_lowered:
0x8: {  	[smem:$0x3FAA] =	sst s0  }
0x9: {  	[smem:$0x3FAB] =	sst s1  }
0xa: {  	[smem:$0x3FAC] =	sst s2  }
0xb: {  	[smem:$0x3FAD] =	sst s3  }
0xc: {  	[smem:$0x3FAE] =	sst s4  }
0xd: {  	[smem:$0x3FAF] =	sst s5  }
0xe: {  	[smem:$0x3FB0] =	sst s6  }
0xf: {  	[smem:$0x3FB1] =	sst s7  }
0x10: {  	[smem:$0x3FB2] =	sst s8  }
0x11: {  	[smem:$0x3FB3] =	sst s9;
	s0 =	simm.s32 @!p0 $0x0  }
0x12: {  	s1 =	sld [smem:$0x3F99];
	s0 =	simm.s32 @p0 $0x1  }
0x13: {  	[smem:$0x3FB4] =	sst s0;
	s0 =	simm.s32 @!p1 $0x0  }
0x14: {  	s2 =	sld [smem:$0x3F98];
	s0 =	simm.s32 @p1 $0x1  }
0x15: {  	[smem:$0x3FB5] =	sst s0;
	s0 =	simm.s32 @!p2 $0x0  }
0x16: {  	s3 =	sld [smem:$0x3FDB];
	s0 =	simm.s32 @p2 $0x1  }
0x17: {  	s4 =	simm.s32 $0x1BF5;
	[smem:$0x3FB7] =	sst s0  }
0x18: {  	s0 =	sld [smem:$0x3F9A];
	_ =	swait.ge [sflag:s4], $0x0  }
0x19: {  	s7 =	sld [smem:$0x3F9B]  }
0x1a: {  	s8 =	sadd.s32 $0xFFFFE003, lr  }
0x1b: {  	s9 =	sadd.s32 $0xFFFFFEF7, lr;
	s5 =	simm.s32 $0xFFFFFFFF;
	p2 =	slt.u32 s8, $0xFFFFF086  }
0x1c: {  	p1 =	slt.u32 s9, $0xF7A;
	s5 =	simm.s32 @!p2 $0x0  }
0x1d: {  	s5 =	simm.s32 @p1 $0x1;
	p0 =	seq.s32 s7, s2  }
0x1e: {  	s7 =	smul.u32 @!p0 $0xF7A, s2;
	p2 =	seq.s32 @!p0 s5, $0x0  }
0x1f: {  	s9 =	smul.u32 $0xF7A, s1;
	s8 =	simm.s32 @!p0 $0x1BF5;
	p2 =	por !p2, p0  }
0x20: {  	[sflag:s8] =	ssyncset.s32 @!p0 $0xFFFFF086;
	s6 =	sadd.s32 @!p0 s3, s7;
	s7 =	simm.s32 @!p0 $0x108  }
0x21: {  	s3 =	sadd.s32 s3, s9;
	s6 =	sadd.s32 @!p0 $0x88, s6;
	s7 =	simm.s32 @p2 $0x1082  }
0x22: {  	[simem:s7], [sflag:s8] =	dma.local @!p0 [hbm:s6], $0xF7A  }
0x23: {  	s9 =	sor.u32 $0xD0000000, s2;
	s6 =	simm.s32 $0x108;
	_ =	swait.ge @!p0 [sflag:s8], $0x0  }
0x24: {  	s3 =	sadd.s32 $0x88, s3;
	s6 =	simm.s32 @!p1 $0x1082;
	[sflag:s4] =	ssyncset.s32 $0xFFFFF086  }
0x25: {  	[simem:s6], [sflag:s4] =	dma.local [hbm:s3], $0xF7A  }
0x26: {  	[smem:$0x3F9B] =	sst s1;
	(tag) =	ssettag s2;
	_ =	strace s9  }
0x27: {  	s1 =	sld [smem:$0x3FAB]  }
0x28: {  	s2 =	sld [smem:$0x3FAC]  }
0x29: {  	s4 =	sld [smem:$0x3FAE]  }
0x2a: {  	p0 =	seq.s32 s5, $0x0;
	s5 =	sld [smem:$0x3FAF]  }
0x2b: {  	s6 =	sld [smem:$0x3FB0]  }
0x2c: {  	s7 =	sld [smem:$0x3FB1]  }
0x2d: {  	s3 =	simm.s32 $0x108;
	s8 =	sld [smem:$0x3FB2]  }
0x2e: {  	s3 =	simm.s32 @!p0 $0x1082;
	s9 =	sld [smem:$0x3FB3]  }
0x2f: {  	lr =	sadd.s32 s0, s3;
	s0 =	sld [smem:$0x3FAA]  }
0x30: {  	s3 =	sld [smem:$0x3FAD]  }
0x31: {  	[smem:$0x3FB6] =	sst s10  }
0x32: {  	s10 =	sld [smem:$0x3FB4];
	_ =	sdelay $0x3  }
0x33: {  	p0 =	seq.s32 s10, $0x1;
	s10 =	sld [smem:$0x3FB6];
	_ =	sdelay $0x3  }
0x34: {  	[smem:$0x3FB6] =	sst s10  }
0x35: {  	s10 =	sld [smem:$0x3FB5];
	_ =	sdelay $0x3  }
0x36: {  	p1 =	seq.s32 s10, $0x1;
	s10 =	sld [smem:$0x3FB6];
	_ =	sdelay $0x3  }
0x37: {  	[smem:$0x3FB6] =	sst s10  }
0x38: {  	s10 =	sld [smem:$0x3FB7]  }
0x39: {  	_ = 	snop;
	(pc) =	sbr.ind lr, $3  }
0x3a: {  	_ = 	snop  }
0x3b: {  	_ = 	snop  }
0x3c: {  	p2 =	seq.s32 s10, $0x1;
	s10 =	sld [smem:$0x3FB6]  }
0x3d: {  	_ =	shalt  }
0x3e: {  	_ =	shalt  }
0x3f: {  	_ =	shalt  }
0x40: {  	_ =	shalt  }
0x41: {  	_ =	shalt  }
0x42: {  	_ =	shalt  }
0x43: {  	_ =	shalt  }
0x44: {  	_ =	shalt  }
0x45: {  	_ =	shalt  }
0x46: {  	_ =	shalt  }
0x47: {  	_ =	shalt  }
0x48: {  	_ =	shalt  }
0x49: {  	_ =	shalt  }
0x4a: {  	_ =	shalt  }
0x4b: {  	_ =	shalt  }
0x4c: {  	_ =	shalt  }
0x4d: {  	_ =	shalt  }
0x4e: {  	_ =	shalt  }
0x4f: {  	_ =	shalt  }
0x50: {  	_ =	shalt  }
0x51: {  	_ =	shalt  }
0x52: {  	_ =	shalt  }
0x53: {  	_ =	shalt  }
0x54: {  	_ =	shalt  }
0x55: {  	_ =	shalt  }
0x56: {  	_ =	shalt  }
0x57: {  	_ =	shalt  }
0x58: {  	_ =	shalt  }
0x59: {  	_ =	shalt  }
0x5a: {  	_ =	shalt  }
0x5b: {  	_ =	shalt  }
0x5c: {  	_ =	shalt  }
0x5d: {  	_ =	shalt  }
0x5e: {  	_ =	shalt  }
0x5f: {  	_ =	shalt  }
0x60: {  	_ =	shalt  }
0x61: {  	_ =	shalt  }
0x62: {  	_ =	shalt  }
0x63: {  	_ =	shalt  }
0x64: {  	_ =	shalt  }
0x65: {  	_ =	shalt  }
0x66: {  	_ =	shalt  }
0x67: {  	_ =	shalt  }
0x68: {  	_ =	shalt  }
0x69: {  	_ =	shalt  }
0x6a: {  	_ =	shalt  }
0x6b: {  	_ =	shalt  }
0x6c: {  	_ =	shalt  }
0x6d: {  	_ =	shalt  }
0x6e: {  	_ =	shalt  }
0x6f: {  	_ =	shalt  }
0x70: {  	_ =	shalt  }
0x71: {  	_ =	shalt  }
0x72: {  	_ =	shalt  }
0x73: {  	_ =	shalt  }
0x74: {  	_ =	shalt  }
0x75: {  	_ =	shalt  }
0x76: {  	_ =	shalt  }
0x77: {  	_ =	shalt  }
0x78: {  	_ =	shalt  }
0x79: {  	_ =	shalt  }
0x7a: {  	_ =	shalt  }
0x7b: {  	_ =	shalt  }
0x7c: {  	_ =	shalt  }
0x7d: {  	_ =	shalt  }
0x7e: {  	_ =	shalt  }
0x7f: {  	_ =	shalt  }
0x80: {  	_ =	shalt  }
0x81: {  	_ =	shalt  }
0x82: {  	_ =	shalt  }
0x83: {  	_ =	shalt  }
0x84: {  	_ =	shalt  }
0x85: {  	_ =	shalt  }
0x86: {  	_ =	shalt  }
0x87: {  	_ =	shalt  }
.Lfunc_end0:
.L_simem_size_0:
called_computation.1_lowered:
.L_overlay_start_0:
0x88: {  	s2 =	sld [smem:$0x3FD9]  }
0x89: {  	s3 =	sld [smem:$0x3FFE];
	_ =	sdelay $0x1  }
0x8a: {  	s1 =	srdreg.scid  }
0x8b: {  	s0 =	sand.u32 $0x1, s1  }
0x8c: {  	s17 =	sshll.u32 s0, $0xA;
	s2 =	sadd.s32 s3, s2  }
0x8d: {  	s2 =	sadd.s32 s2, s17  }
0x8e: {  	[smem:$0x3FC2] =	sst s2  }
0x8f: {  	_ = 	snop  }
0x90: {  	s2 =	sld [smem:$0x3FD0];
	(tm) =	ssettm $0x1  }
0x91: {  	s18 =	sld [smem:$0x3FFB];
	_ =	sdelay $0x3  }
0x92: {  	_ =	strace s18  }
0x93: {  	s3 =	sld [smem:$0x3FFC];
	_ =	sdelay $0x3  }
0x94: {  	_ =	strace s3  }
0x95: {  	s3 =	sld [smem:$0x3FFD];
	_ =	sdelay $0x3  }
0x96: {  	_ =	strace s3  }
0x97: {  	_ =	strace $0x8FFFFFFF  }
0x98: {  	s19 =	sld [smem:$0x3FDB];
	_ =	sdelay $0x1  }
0x99: {  	s4 =	simm.s32 $_scs_section_size  }
0x9a: {  	s5 =	simm.s32 $_size__tile_overlayer_lowered;
	s6 =	simm.s32 $_tile_overlayer_lowered  }
0x9b: {  	s22 =	simm.s32 $0x1BFF;
	s21 =	sshll.u32 s6, $0x1;
	s3 =	sadd.s32 s4, s19  }
0x9c: {  	s7 =	simm.s32 $0x0;
	s20 =	sshll.u32 s5, $0x1;
	s5 =	sadd.s32 s21, s3  }
0x9d: {  	[timem:s7], [sflag:s22] =	dma.local [hbm:s5], s20  }
0x9e: {  	_ =	swait.ge [sflag:s22], s20  }
0x9f: {  	s4 =	ssub.s32 $0x0, s20;
	[sflag:s22] =	ssyncset.done $0x0  }
0xa0: {  	[sflag:s22] =	ssyncadd.s32 s4;
	_ =	sdelay $0x1  }
0xa1: {  	s23 =	simm.s32 $0x1B8B  }
0xa2: {  	_ =	swait.ge [sflag:s23], $0x1  }
0xa3: {  	[sflag:s23] =	ssyncset.done $0x0  }
0xa4: {  	s25 =	simm.s32 $0x1B8E;
	s24 =	sld [smem:$0x3FFE];
	[sflag:s23] =	ssyncadd.s32 $0xFFFFFFFF  }
0xa5: {  	s26 =	simm.s32 $execute0_lowered;
	[smem:$0x3FD2] =	sst s25  }
0xa6: {  	s5 =	sshll.u32 s26, $0x1;
	_ =	strace $0x80000049;
	[dreg:$0x1] =	wrdreg $0xFFFFFFFF  }
0xa7: {  	s28 =	simm.s32 $_size_execute0_lowered;
	s3 =	sadd.s32 s3, s5;
	[dreg:$0x0] =	wrdreg $0x0  }
0xa8: {  	s5 =	sshll.u32 s28, $0x1;
	[dreg:$0x2] =	wrdreg s3  }
0xa9: {  	[dreg:$0x3] =	wrdreg s5  }
0xaa: {  	[dreg:$0x4] =	wrdreg $0xC0  }
0xab: {  	_ =	task [dreg:s7], $0x5FFFF  }
0xac: {  	[dreg:$0x1] =	wrdreg $0xFFFFFFFF  }
0xad: {  	[dreg:$0x0] =	wrdreg $0x60  }
0xae: {  	[dreg:$0x2] =	wrdreg s24  }
0xaf: {  	[dreg:$0x3] =	wrdreg s2  }
0xb0: {  	[dreg:$0x4] =	wrdreg $0x0  }
0xb1: {  	[dreg:$0x5] =	wrdreg $0x9  }
0xb2: {  	_ =	task.clear_ibuf [dreg:s7], $0x6FFFF;
	_ =	strace $0x90000049  }
0xb3: {  	s29 =	simm.s32 $0x9;
	_ =	strace $0x8000004B  }
0xb4: {  	_ =	swait.ge [sflag:s29], $0x1  }
0xb5: {  	[sflag:s29] =	ssyncadd.s32 $0xFFFFFFFF  }
0xb6: {  	_ =	strace $0x9000004B  }
0xb7: {  	_ =	sfence  }
0xb8: {  	s30 =	sld [smem:$0x0];
	_ =	sdelay $0x2  }
0xb9: {  	s31 =	sshll.u32 s1, $0xD;
	s1 =	sshrl.u32 s1, $0x2  }
0xba: {  	s3 =	sand.u32 $0x4000, s31;
	s1 =	sadd.s32 s1, s30  }
0xbb: {  	s0 =	sor.u32 s3, s0;
	s1 =	sshll.u32 s1, $0x11  }
0xbc: {  	s0 =	sor.u32 s1, s0  }
0xbd: {  	s0 =	sadd.s32 $0x8F2B, s0  }
0xbe: {  	[sflag:s0] =	ssyncadd.remote.s32 $0x1  }
0xbf: {  	_ =	sfence.sel $0xFFFF  }
0xc0: {  	[dreg:$0x0] =	wrdreg $0xFFFFFFFF;
	(pc) =	sbr.abs _section_cstart, $3  }
0xc1: {  	[dreg:$0x1] =	wrdreg $0xFFFFFFFF  }
0xc2: {  	_ =	task.clear_ibuf [dreg:s7], $0x2FFFF;
	_ =	strace $0x9FFFFFFF  }
0xc3: {  	(tm) =	ssettm $0x7FFFFFFF  }
tec
execute0_lowered:
.L_overlay_start_1:
0x0: {  	(tag) =	ssettag $0x1  }
0x1: {  	s0 =	rddreg [dreg:$0x0]  }
0x2: {  	s6 =	rddreg [dreg:$0x1]  }
0x3: {  	s2 =	rddreg [dreg:$0x2];
	s1 =	stileid.u32;
	s3 =	simm.s32 $0x0  }
0x4: {  	s5 =	srdreg.scid;
	s13 =	simm.s32 $0x7;
	s17 =	simm.s32 $0x40  }
0x5: {  	s18 =	simm.s32 $0x18D80;
	s20 =	simm.s32 $0x1AD80;
	s4 =	smul.u32 $0x3380, s1  }
0x6: {  	s21 =	simm.s32 $0x14080;
	s22 =	simm.s32 $0x1CD80;
	s7 =	smul.u32 $0x1AC0, s1  }
0x7: {  	s23 =	simm.s32 $0x1ED80;
	s24 =	simm.s32 $0x0;
	s8 =	smul.u32 $0x14000, s1  }
0x8: {  	[smem:$0x7FF] =	sst s3;
	s5 =	sand.u32 $0x1, s5;
	s11 =	smul.u32 $0x50000, s1  }
0x9: {  	s31 =	sshll.u32 s1, $0x6;
	p0 =	seq.s32 s5, $0x0;
	s9 =	smul.u32 $0x140000, s5  }
0xa: {  	_ =	strace $0x8000004A;
	s5 =	ssub.s32 $0x2, s5;
	s15 =	sor.u32 $0x1C07, s31  }
0xb: {  	s7 =	sadd.s32 $0x33800, s7;
	s29 =	sshrl.u32 s5, $0x1;
	s30 =	sshrl.u32 s11, $0x2  }
0xc: {  	s7 =	smov.u32 @p0 s4;
	s4 =	sadd.s32 $0x1B600, s0;
	s9 =	sadd.s32 s8, s9  }
0xd: {  	s12 =	ssub.s32 s5, s29;
	s5 =	simm.s32 $0xCE;
	s16 =	sadd.s32 s30, s2  }
0xe: {  	s8 =	sshrl.u32 s8, $0x3;
	s10 =	sshrl.u32 s7, $0x4;
	s9 =	sshrl.u32 s9, $0x3  }
0xf: {  	s7 =	sshrl.u32 s7, $0x3;
	s5 =	simm.s32 @!p0 $0x6B;
	s8 =	sadd.s32 s4, s8  }
0x10: {  	s11 =	smax.u32 s12, $0x1;
	s12 =	simm.s32 $0x14000;
	s16 =	sshrl.u32 s16, $0x3  }
0x11: {  	s10 =	sadd.s32 s10, s0;
	s0 =	sadd.s32 s9, s0;
	s6 =	sadd.s32 s6, s7  }
0x12: {  	s9 =	sadd.s32 $0xFFFFFFFE, s5;
	s7 =	sadd.s32 $0x16600, s10;
	s10 =	sadd.s32 $0x6B600, s0  }
.LBB2_1:
0x13: {  	[tilespmem:s12], [sflag:$0x7] =	stream.linear.gather [hbm4b:s6+s3], $0x3380, $0x38;
	[tilespmem:$0x1EF00] =	vst v63  }
0x14: {  	_ =	swait.ge [sflag:s13], $0x3380  }
0x15: {  	[sflag:s13] =	ssyncset.done $0x0  }
0x16: {  	s0 =	simm.s32 $0x17380;
	[sflag:s13] =	ssyncadd.s32 $0xFFFFCC80  }
0x17: {  	[tilespmem:s0], [sflag:$0x7] =	stream.linear.gather [hbm4b:s7+s3], $0x19C0, $0x38;
	[tilespmem:$0x1EF00] =	vst v63  }
0x18: {  	_ =	swait.ge [sflag:s13], $0x19C0  }
0x19: {  	[sflag:s13] =	ssyncset.done $0x0  }
0x1a: {  	[sflag:s13] =	ssyncadd.s32 $0xFFFFE640  }
0x1b: {  	[spmem:s16], [sflag:s15] =	dma.local [hbm:s8], $0x2800  }
0x1c: {  	_ =	swait.ge [sflag:s13], $0x2800  }
0x1d: {  	[sflag:s13] =	ssyncset.done $0x0  }
0x1e: {  	[sflag:s13] =	ssyncadd.s32 $0xFFFFD800  }
0x1f: {  	[bflag:$0x0] =	sbarrier.arrive $0xFFFF  }
0x20: {  	[tilespmem:s18], [sflag:$0x1] =	stream.indirect.gather [hbm4b:s4+s17], $0x80, s12, s17, $0xb8;
	[tilespmem:$0x1EF00] =	vst v63  }
0x21: {  	s31 =	simm.s32 $0x14040;
	s0 =	simm.s32 $0x1  }
0x22: {  	[tilespmem:s20], [sflag:$0x2] =	stream.indirect.gather [hbm4b:s4+s17], $0x80, s31, s17, $0xb8;
	[tilespmem:$0x1EF00] =	vst v63  }
0x23: {  	_ =	swait.ge [sflag:s0], $0x2000  }
0x24: {  	[sflag:s0] =	ssyncset.done $0x0  }
0x25: {  	[sflag:s0] =	ssyncadd.s32 $0xFFFFE000  }
0x26: {  	[tilespmem:s22], [sflag:$0x3] =	stream.indirect.gather [hbm4b:s4+s17], $0x80, s21, s17, $0xb8;
	[tilespmem:$0x1EF00] =	vst v63  }
0x27: {  	v0 =	vld [tilespmem:$0x17380];
	_ =	sdelay $0x1  }
0x28: {  	v1 =	vld [tilespmem:$0x17390];
	_ =	sdelay $0x2  }
0x29: {  	v2 =	vunpack.i.l.s16.s32 v0  }
0x2a: {  	v0 =	vunpack.i.u.s16.s32 v0;
	[tilespmem:$0x1ED80] =	vst v2  }
0x2b: {  	v63 =	vunpack.i.l.s16.s32 v1;
	[tilespmem:$0x1ED90] =	vst v0  }
0x2c: {  	s29 =	simm.s32 $0x2;
	s26 =	simm.s32 $0x140C0;
	v1 =	vunpack.i.u.s16.s32 v1;
	[tilespmem:$0x1EDA0] =	vst v63  }
0x2d: {  	s28 =	simm.s32 $0x173B0;
	s25 =	simm.s32 $0x0;
	s30 =	simm.s32 $0x1;
	[tilespmem:$0x1EDB0] =	vst v1  }
0x2e: {  	[spmem:s2] =	stream.indirect.scatter.add.f32 [tilespmem:s18], [sflag:$0x4], $0x80, s23, s17, $0xb8;
	[tilespmem:$0x1EF00] =	vst v63  }
.LBB2_2:
0x2f: {  	s31 =	sadd.s32 $0x1, s0  }
0x30: {  	_ =	swait.ge [sflag:s31], $0x2000  }
0x31: {  	s1 =	smov.u32 s29;
	s29 =	smov.u32 s25;
	[sflag:s31] =	ssyncset.done $0x0  }
0x32: {  	s19 =	sadd.s32 $0x4, s25;
	p0 =	sge.u32 s30, s9;
	[sflag:s31] =	ssyncadd.s32 $0xFFFFE000  }
0x33: {  	s31 =	sshll.u32 @!p0 s29, $0xD;
	_ =	swait.ge [sflag:s19], $0x2000  }
0x34: {  	s14 =	simm.s32 @!p0 $0x40;
	s25 =	sand.u32 @!p0 $0x3FFFE000, s31;
	[sflag:s19] =	ssyncset.done $0x0  }
0x35: {  	s31 =	sadd.s32 @!p0 $0x1, s29;
	s25 =	sadd.s32 @!p0 $0x18D80, s25;
	[sflag:s19] =	ssyncadd.s32 $0xFFFFE000  }
0x36: {  	[tilespmem:s25], [sflag:s31] =	stream.indirect.gather @!p0 [hbm4b:s4+s14], $0x80, s26, s14, $0xb8;
	[tilespmem:$0x1EF00] =	vst v63  }
0x37: {  	v0 =	vld [tilespmem:s28+$0xFFFFFFF0];
	_ =	sdelay $0x3  }
0x38: {  	s25 =	sshll.u32 s0, $0x7  }
0x39: {  	s14 =	sand.u32 $0x3FFFFF80, s25;
	v1 =	vunpack.i.l.s16.s32 v0  }
0x3a: {  	v0 =	vunpack.i.u.s16.s32 v0;
	[tilespmem:s14+$0x1ED80] =	vst v1  }
0x3b: {  	[tilespmem:s14+$0x1ED90] =	vst v0  }
0x3c: {  	v0 =	vld [tilespmem:s28+$0x0];
	_ =	sdelay $0x2  }
0x3d: {  	s30 =	sadd.s32 $0x1, s30  }
0x3e: {  	p0 =	sne.s32 s5, s30  }
.Ltmp0:
0x3f: {  	s19 =	sshll.u32 s0, $0xD;
	v63 =	vunpack.i.l.s16.s32 v0;
	(pc) =	sbr.rel @p0 .LBB2_2-.Ltmp0, $4  }
0x40: {  	s31 =	sadd.s32 $0x4, s0;
	s25 =	sand.u32 $0x3FFFE000, s19;
	v0 =	vunpack.i.u.s16.s32 v0;
	[tilespmem:s14+$0x1EDA0] =	vst v63  }
0x41: {  	s26 =	sadd.s32 $0x40, s26;
	s19 =	sadd.s32 $0x1ED80, s14;
	s25 =	sadd.s32 $0x18D80, s25;
	[tilespmem:s14+$0x1EDB0] =	vst v0  }
0x42: {  	[spmem:s2] =	stream.indirect.scatter.add.f32 [tilespmem:s25], [sflag:s31], $0x80, s19, s17, $0xb8;
	[tilespmem:$0x1EF00] =	vst v63  }
0x43: {  	s28 =	sadd.s32 $0x20, s28;
	s25 =	smov.u32 s0;
	s0 =	smov.u32 s1  }
0x44: {  	_ =	swait.ge [sflag:s31], $0x2000  }
0x45: {  	s24 =	sadd.s32 $0x1, s24;
	[sflag:s31] =	ssyncset.done $0x0  }
0x46: {  	p0 =	sne.s32 s24, s11;
	[sflag:s31] =	ssyncadd.s32 $0xFFFFE000  }
.Ltmp1:
0x47: {  	[bflag:$0x0] =	sbarrier.arrive $0xFFFF;
	(pc) =	sbr.rel @p0 .LBB2_1-.Ltmp1, $4  }
0x48: {  	[hbm:s10], [sflag:s15] =	dma.local [spmem:s16], $0x2800  }
0x49: {  	_ =	swait.ge [sflag:s13], $0x2800  }
0x4a: {  	[sflag:s13] =	ssyncset.done $0x0  }
0x4b: {  	[sflag:s13] =	ssyncadd.s32 $0xFFFFD800  }
0x4c: {  	_ =	sfence.sel $0x180000  }
0x4d: {  	[bflag:$0x0] =	sbarrier.arrive $0xFFFF  }
0x4e: {  	_ =	strace $0x9000004A  }
0x4f: {  	s0 =	stileid.u32;
	[bflag:$0x2] =	sbarrier.arrive $0xFFFF  }
0x50: {  	p0 =	sne.s32 s0, $0x0;
	s0 =	rddreg [dreg:$0x3]  }
0x51: {  	s0 =	sadd.s32 @!p0 $0x100000, s0  }
0x52: {  	[sflag:s0] =	ssyncadd.tile.s32 @!p0 $0x1;
	_ =	shalt  }
.Lfunc_end2:
_tile_overlayer_lowered:
.L_overlay_start_2:
0x53: {  	(tag) =	ssettag $0x2  }
0x54: {  	s0 =	rddreg [dreg:$0x0];
	s2 =	stileid.u32  }
0x55: {  	s1 =	rddreg [dreg:$0x1];
	p0 =	sne.s32 s2, $0x0  }
0x56: {  	s3 =	rddreg [dreg:$0x2];
	[bflag:$0x3] =	sbarrier.arrive $0xFFFF;
	s2 =	simm.s32 @!p0 $0x1C07  }
0x57: {  	[timem:s3], [sflag:s2] =	dma.local @!p0 [hbm:s0], s1  }
0x58: {  	s0 =	simm.s32 @!p0 $0x7  }
0x59: {  	_ =	swait.ge @!p0 [sflag:s0], s1  }
0x5a: {  	s1 =	ssub.s32 @!p0 $0x0, s1;
	[sflag:s0] =	ssyncset.done @!p0 $0x0  }
0x5b: {  	[sflag:s0] =	ssyncadd.s32 @!p0 s1  }
0x5c: {  	[bflag:$0x3] =	sbarrier.arrive $0xFFFF  }
0x5d: {  	_ =	shalt  }

// kernel: kernel.14.cloned.1.call-start
scs
__scs_entry_jumppad:
0x0: {  	(pc) =	sbr.rel $0x88, $3  }
0x1: {  	(tag) =	ssettag $0x0;
	lr =	simm.s32 $0x1  }
0x2: {  	[smem:$0x3F9B] =	sst lr;
	_ =	strace $0xD0000000  }
0x3: {  	_ = 	snop  }
0x4: {  	_ = 	snop  }
0x5: {  	_ = 	snop  }
0x6: {  	_ = 	snop  }
0x7: {  	_ = 	snop  }
__scs_overlays_trampoline_lowered:
0x8: {  	[smem:$0x3FAA] =	sst s0  }
0x9: {  	[smem:$0x3FAB] =	sst s1  }
0xa: {  	[smem:$0x3FAC] =	sst s2  }
0xb: {  	[smem:$0x3FAD] =	sst s3  }
0xc: {  	[smem:$0x3FAE] =	sst s4  }
0xd: {  	[smem:$0x3FAF] =	sst s5  }
0xe: {  	[smem:$0x3FB0] =	sst s6  }
0xf: {  	[smem:$0x3FB1] =	sst s7  }
0x10: {  	[smem:$0x3FB2] =	sst s8  }
0x11: {  	[smem:$0x3FB3] =	sst s9;
	s0 =	simm.s32 @!p0 $0x0  }
0x12: {  	s1 =	sld [smem:$0x3F99];
	s0 =	simm.s32 @p0 $0x1  }
0x13: {  	[smem:$0x3FB4] =	sst s0;
	s0 =	simm.s32 @!p1 $0x0  }
0x14: {  	s2 =	sld [smem:$0x3F98];
	s0 =	simm.s32 @p1 $0x1  }
0x15: {  	[smem:$0x3FB5] =	sst s0;
	s0 =	simm.s32 @!p2 $0x0  }
0x16: {  	s3 =	sld [smem:$0x3FDB];
	s0 =	simm.s32 @p2 $0x1  }
0x17: {  	s4 =	simm.s32 $0x1BF5;
	[smem:$0x3FB7] =	sst s0  }
0x18: {  	s0 =	sld [smem:$0x3F9A];
	_ =	swait.ge [sflag:s4], $0x0  }
0x19: {  	s7 =	sld [smem:$0x3F9B]  }
0x1a: {  	s8 =	sadd.s32 $0xFFFFE003, lr  }
0x1b: {  	s9 =	sadd.s32 $0xFFFFFEF7, lr;
	s5 =	simm.s32 $0xFFFFFFFF;
	p2 =	slt.u32 s8, $0xFFFFF086  }
0x1c: {  	p1 =	slt.u32 s9, $0xF7A;
	s5 =	simm.s32 @!p2 $0x0  }
0x1d: {  	s5 =	simm.s32 @p1 $0x1;
	p0 =	seq.s32 s7, s2  }
0x1e: {  	s7 =	smul.u32 @!p0 $0xF7A, s2;
	p2 =	seq.s32 @!p0 s5, $0x0  }
0x1f: {  	s9 =	smul.u32 $0xF7A, s1;
	s8 =	simm.s32 @!p0 $0x1BF5;
	p2 =	por !p2, p0  }
0x20: {  	[sflag:s8] =	ssyncset.s32 @!p0 $0xFFFFF086;
	s6 =	sadd.s32 @!p0 s3, s7;
	s7 =	simm.s32 @!p0 $0x108  }
0x21: {  	s3 =	sadd.s32 s3, s9;
	s6 =	sadd.s32 @!p0 $0x88, s6;
	s7 =	simm.s32 @p2 $0x1082  }
0x22: {  	[simem:s7], [sflag:s8] =	dma.local @!p0 [hbm:s6], $0xF7A  }
0x23: {  	s9 =	sor.u32 $0xD0000000, s2;
	s6 =	simm.s32 $0x108;
	_ =	swait.ge @!p0 [sflag:s8], $0x0  }
0x24: {  	s3 =	sadd.s32 $0x88, s3;
	s6 =	simm.s32 @!p1 $0x1082;
	[sflag:s4] =	ssyncset.s32 $0xFFFFF086  }
0x25: {  	[simem:s6], [sflag:s4] =	dma.local [hbm:s3], $0xF7A  }
0x26: {  	[smem:$0x3F9B] =	sst s1;
	(tag) =	ssettag s2;
	_ =	strace s9  }
0x27: {  	s1 =	sld [smem:$0x3FAB]  }
0x28: {  	s2 =	sld [smem:$0x3FAC]  }
0x29: {  	s4 =	sld [smem:$0x3FAE]  }
0x2a: {  	p0 =	seq.s32 s5, $0x0;
	s5 =	sld [smem:$0x3FAF]  }
0x2b: {  	s6 =	sld [smem:$0x3FB0]  }
0x2c: {  	s7 =	sld [smem:$0x3FB1]  }
0x2d: {  	s3 =	simm.s32 $0x108;
	s8 =	sld [smem:$0x3FB2]  }
0x2e: {  	s3 =	simm.s32 @!p0 $0x1082;
	s9 =	sld [smem:$0x3FB3]  }
0x2f: {  	lr =	sadd.s32 s0, s3;
	s0 =	sld [smem:$0x3FAA]  }
0x30: {  	s3 =	sld [smem:$0x3FAD]  }
0x31: {  	[smem:$0x3FB6] =	sst s10  }
0x32: {  	s10 =	sld [smem:$0x3FB4];
	_ =	sdelay $0x3  }
0x33: {  	p0 =	seq.s32 s10, $0x1;
	s10 =	sld [smem:$0x3FB6];
	_ =	sdelay $0x3  }
0x34: {  	[smem:$0x3FB6] =	sst s10  }
0x35: {  	s10 =	sld [smem:$0x3FB5];
	_ =	sdelay $0x3  }
0x36: {  	p1 =	seq.s32 s10, $0x1;
	s10 =	sld [smem:$0x3FB6];
	_ =	sdelay $0x3  }
0x37: {  	[smem:$0x3FB6] =	sst s10  }
0x38: {  	s10 =	sld [smem:$0x3FB7]  }
0x39: {  	_ = 	snop;
	(pc) =	sbr.ind lr, $3  }
0x3a: {  	_ = 	snop  }
0x3b: {  	_ = 	snop  }
0x3c: {  	p2 =	seq.s32 s10, $0x1;
	s10 =	sld [smem:$0x3FB6]  }
0x3d: {  	_ =	shalt  }
0x3e: {  	_ =	shalt  }
0x3f: {  	_ =	shalt  }
0x40: {  	_ =	shalt  }
0x41: {  	_ =	shalt  }
0x42: {  	_ =	shalt  }
0x43: {  	_ =	shalt  }
0x44: {  	_ =	shalt  }
0x45: {  	_ =	shalt  }
0x46: {  	_ =	shalt  }
0x47: {  	_ =	shalt  }
0x48: {  	_ =	shalt  }
0x49: {  	_ =	shalt  }
0x4a: {  	_ =	shalt  }
0x4b: {  	_ =	shalt  }
0x4c: {  	_ =	shalt  }
0x4d: {  	_ =	shalt  }
0x4e: {  	_ =	shalt  }
0x4f: {  	_ =	shalt  }
0x50: {  	_ =	shalt  }
0x51: {  	_ =	shalt  }
0x52: {  	_ =	shalt  }
0x53: {  	_ =	shalt  }
0x54: {  	_ =	shalt  }
0x55: {  	_ =	shalt  }
0x56: {  	_ =	shalt  }
0x57: {  	_ =	shalt  }
0x58: {  	_ =	shalt  }
0x59: {  	_ =	shalt  }
0x5a: {  	_ =	shalt  }
0x5b: {  	_ =	shalt  }
0x5c: {  	_ =	shalt  }
0x5d: {  	_ =	shalt  }
0x5e: {  	_ =	shalt  }
0x5f: {  	_ =	shalt  }
0x60: {  	_ =	shalt  }
0x61: {  	_ =	shalt  }
0x62: {  	_ =	shalt  }
0x63: {  	_ =	shalt  }
0x64: {  	_ =	shalt  }
0x65: {  	_ =	shalt  }
0x66: {  	_ =	shalt  }
0x67: {  	_ =	shalt  }
0x68: {  	_ =	shalt  }
0x69: {  	_ =	shalt  }
0x6a: {  	_ =	shalt  }
0x6b: {  	_ =	shalt  }
0x6c: {  	_ =	shalt  }
0x6d: {  	_ =	shalt  }
0x6e: {  	_ =	shalt  }
0x6f: {  	_ =	shalt  }
0x70: {  	_ =	shalt  }
0x71: {  	_ =	shalt  }
0x72: {  	_ =	shalt  }
0x73: {  	_ =	shalt  }
0x74: {  	_ =	shalt  }
0x75: {  	_ =	shalt  }
0x76: {  	_ =	shalt  }
0x77: {  	_ =	shalt  }
0x78: {  	_ =	shalt  }
0x79: {  	_ =	shalt  }
0x7a: {  	_ =	shalt  }
0x7b: {  	_ =	shalt  }
0x7c: {  	_ =	shalt  }
0x7d: {  	_ =	shalt  }
0x7e: {  	_ =	shalt  }
0x7f: {  	_ =	shalt  }
0x80: {  	_ =	shalt  }
0x81: {  	_ =	shalt  }
0x82: {  	_ =	shalt  }
0x83: {  	_ =	shalt  }
0x84: {  	_ =	shalt  }
0x85: {  	_ =	shalt  }
0x86: {  	_ =	shalt  }
0x87: {  	_ =	shalt  }
.Lfunc_end0:
.L_simem_size_0:
called_computation.2_lowered:
.L_overlay_start_0:
0x88: {  	s2 =	sld [smem:$0x3FD9]  }
0x89: {  	s3 =	sld [smem:$0x3FFE];
	_ =	sdelay $0x1  }
0x8a: {  	s1 =	srdreg.scid  }
0x8b: {  	s0 =	sand.u32 $0x1, s1  }
0x8c: {  	s17 =	sshll.u32 s0, $0xA;
	s2 =	sadd.s32 s3, s2  }
0x8d: {  	s2 =	sadd.s32 s2, s17  }
0x8e: {  	[smem:$0x3FC2] =	sst s2  }
0x8f: {  	_ = 	snop  }
0x90: {  	s2 =	sld [smem:$0x3FD0];
	(tm) =	ssettm $0x1  }
0x91: {  	s18 =	sld [smem:$0x3FFB];
	_ =	sdelay $0x3  }
0x92: {  	_ =	strace s18  }
0x93: {  	s3 =	sld [smem:$0x3FFC];
	_ =	sdelay $0x3  }
0x94: {  	_ =	strace s3  }
0x95: {  	s3 =	sld [smem:$0x3FFD];
	_ =	sdelay $0x3  }
0x96: {  	_ =	strace s3  }
0x97: {  	_ =	strace $0x8FFFFFFF  }
0x98: {  	s19 =	sld [smem:$0x3FDB];
	_ =	sdelay $0x1  }
0x99: {  	s4 =	simm.s32 $_scs_section_size  }
0x9a: {  	s5 =	simm.s32 $_size__tile_overlayer_lowered;
	s6 =	simm.s32 $_tile_overlayer_lowered  }
0x9b: {  	s22 =	simm.s32 $0x1BFF;
	s21 =	sshll.u32 s6, $0x1;
	s3 =	sadd.s32 s4, s19  }
0x9c: {  	s7 =	simm.s32 $0x0;
	s20 =	sshll.u32 s5, $0x1;
	s5 =	sadd.s32 s21, s3  }
0x9d: {  	[timem:s7], [sflag:s22] =	dma.local [hbm:s5], s20  }
0x9e: {  	_ =	swait.ge [sflag:s22], s20  }
0x9f: {  	s4 =	ssub.s32 $0x0, s20;
	[sflag:s22] =	ssyncset.done $0x0  }
0xa0: {  	[sflag:s22] =	ssyncadd.s32 s4;
	_ =	sdelay $0x1  }
0xa1: {  	s23 =	simm.s32 $0x1B8B  }
0xa2: {  	_ =	swait.ge [sflag:s23], $0x1  }
0xa3: {  	[sflag:s23] =	ssyncset.done $0x0  }
0xa4: {  	s25 =	simm.s32 $0x1B8E;
	s24 =	sld [smem:$0x3FFE];
	[sflag:s23] =	ssyncadd.s32 $0xFFFFFFFF  }
0xa5: {  	s26 =	simm.s32 $execute0_lowered;
	[smem:$0x3FD2] =	sst s25  }
0xa6: {  	s5 =	sshll.u32 s26, $0x1;
	_ =	strace $0x8000004C;
	[dreg:$0x1] =	wrdreg $0xFFFFFFFF  }
0xa7: {  	s28 =	simm.s32 $_size_execute0_lowered;
	s3 =	sadd.s32 s3, s5;
	[dreg:$0x0] =	wrdreg $0x0  }
0xa8: {  	s5 =	sshll.u32 s28, $0x1;
	[dreg:$0x2] =	wrdreg s3  }
0xa9: {  	[dreg:$0x3] =	wrdreg s5  }
0xaa: {  	[dreg:$0x4] =	wrdreg $0xC0  }
0xab: {  	_ =	task [dreg:s7], $0x5FFFF  }
0xac: {  	[dreg:$0x1] =	wrdreg $0xFFFFFFFF  }
0xad: {  	[dreg:$0x0] =	wrdreg $0x60  }
0xae: {  	[dreg:$0x2] =	wrdreg s24  }
0xaf: {  	[dreg:$0x3] =	wrdreg s2  }
0xb0: {  	[dreg:$0x4] =	wrdreg $0x0  }
0xb1: {  	[dreg:$0x5] =	wrdreg $0x9  }
0xb2: {  	_ =	task.clear_ibuf [dreg:s7], $0x6FFFF;
	_ =	strace $0x9000004C  }
0xb3: {  	s29 =	simm.s32 $0x9;
	_ =	strace $0x8000004E  }
0xb4: {  	_ =	swait.ge [sflag:s29], $0x1  }
0xb5: {  	[sflag:s29] =	ssyncadd.s32 $0xFFFFFFFF  }
0xb6: {  	_ =	strace $0x9000004E  }
0xb7: {  	_ =	sfence  }
0xb8: {  	s30 =	sld [smem:$0x0];
	_ =	sdelay $0x2  }
0xb9: {  	s31 =	sshll.u32 s1, $0xD;
	s1 =	sshrl.u32 s1, $0x2  }
0xba: {  	s3 =	sand.u32 $0x4000, s31;
	s1 =	sadd.s32 s1, s30  }
0xbb: {  	s0 =	sor.u32 s3, s0;
	s1 =	sshll.u32 s1, $0x11  }
0xbc: {  	s0 =	sor.u32 s1, s0  }
0xbd: {  	s0 =	sadd.s32 $0x8F2B, s0  }
0xbe: {  	[sflag:s0] =	ssyncadd.remote.s32 $0x1  }
0xbf: {  	_ =	sfence.sel $0xFFFF  }
0xc0: {  	[dreg:$0x0] =	wrdreg $0xFFFFFFFF;
	(pc) =	sbr.abs _section_cstart, $3  }
0xc1: {  	[dreg:$0x1] =	wrdreg $0xFFFFFFFF  }
0xc2: {  	_ =	task.clear_ibuf [dreg:s7], $0x2FFFF;
	_ =	strace $0x9FFFFFFF  }
0xc3: {  	(tm) =	ssettm $0x7FFFFFFF  }
tec
execute0_lowered:
.L_overlay_start_1:
0x0: {  	(tag) =	ssettag $0x1  }
0x1: {  	s0 =	rddreg [dreg:$0x0]  }
0x2: {  	s6 =	rddreg [dreg:$0x1]  }
0x3: {  	s2 =	rddreg [dreg:$0x2];
	s1 =	stileid.u32;
	s3 =	simm.s32 $0x0  }
0x4: {  	s5 =	srdreg.scid;
	s13 =	simm.s32 $0x7;
	s17 =	simm.s32 $0x40  }
0x5: {  	s18 =	simm.s32 $0x18D80;
	s20 =	simm.s32 $0x1AD80;
	s4 =	smul.u32 $0x3380, s1  }
0x6: {  	s21 =	simm.s32 $0x14080;
	s22 =	simm.s32 $0x1CD80;
	s7 =	smul.u32 $0x1AC0, s1  }
0x7: {  	s23 =	simm.s32 $0x1ED80;
	s24 =	simm.s32 $0x0;
	s8 =	smul.u32 $0x14000, s1  }
0x8: {  	[smem:$0x7FF] =	sst s3;
	s5 =	sand.u32 $0x1, s5;
	s11 =	smul.u32 $0x50000, s1  }
0x9: {  	s31 =	sshll.u32 s1, $0x6;
	p0 =	seq.s32 s5, $0x0;
	s9 =	smul.u32 $0x140000, s5  }
0xa: {  	_ =	strace $0x8000004D;
	s5 =	ssub.s32 $0x2, s5;
	s15 =	sor.u32 $0x1C07, s31  }
0xb: {  	s7 =	sadd.s32 $0x33800, s7;
	s29 =	sshrl.u32 s5, $0x1;
	s30 =	sshrl.u32 s11, $0x2  }
0xc: {  	s7 =	smov.u32 @p0 s4;
	s4 =	sadd.s32 $0x1B600, s0;
	s9 =	sadd.s32 s8, s9  }
0xd: {  	s12 =	ssub.s32 s5, s29;
	s5 =	simm.s32 $0xCE;
	s16 =	sadd.s32 s30, s2  }
0xe: {  	s8 =	sshrl.u32 s8, $0x3;
	s10 =	sshrl.u32 s7, $0x4;
	s9 =	sshrl.u32 s9, $0x3  }
0xf: {  	s7 =	sshrl.u32 s7, $0x3;
	s5 =	simm.s32 @!p0 $0x6B;
	s8 =	sadd.s32 s4, s8  }
0x10: {  	s11 =	smax.u32 s12, $0x1;
	s12 =	simm.s32 $0x14000;
	s16 =	sshrl.u32 s16, $0x3  }
0x11: {  	s10 =	sadd.s32 s10, s0;
	s0 =	sadd.s32 s9, s0;
	s6 =	sadd.s32 s6, s7  }
0x12: {  	s9 =	sadd.s32 $0xFFFFFFFE, s5;
	s7 =	sadd.s32 $0x16600, s10;
	s10 =	sadd.s32 $0x6B600, s0  }
.LBB2_1:
0x13: {  	[tilespmem:s12], [sflag:$0x7] =	stream.linear.gather [hbm4b:s6+s3], $0x3380, $0x38;
	[tilespmem:$0x1EF00] =	vst v63  }
0x14: {  	_ =	swait.ge [sflag:s13], $0x3380  }
0x15: {  	[sflag:s13] =	ssyncset.done $0x0  }
0x16: {  	s0 =	simm.s32 $0x17380;
	[sflag:s13] =	ssyncadd.s32 $0xFFFFCC80  }
0x17: {  	[tilespmem:s0], [sflag:$0x7] =	stream.linear.gather [hbm4b:s7+s3], $0x19C0, $0x38;
	[tilespmem:$0x1EF00] =	vst v63  }
0x18: {  	_ =	swait.ge [sflag:s13], $0x19C0  }
0x19: {  	[sflag:s13] =	ssyncset.done $0x0  }
0x1a: {  	[sflag:s13] =	ssyncadd.s32 $0xFFFFE640  }
0x1b: {  	[spmem:s16], [sflag:s15] =	dma.local [hbm:s8], $0x2800  }
0x1c: {  	_ =	swait.ge [sflag:s13], $0x2800  }
0x1d: {  	[sflag:s13] =	ssyncset.done $0x0  }
0x1e: {  	[sflag:s13] =	ssyncadd.s32 $0xFFFFD800  }
0x1f: {  	[bflag:$0x0] =	sbarrier.arrive $0xFFFF  }
0x20: {  	[tilespmem:s18], [sflag:$0x1] =	stream.indirect.gather [hbm4b:s4+s17], $0x80, s12, s17, $0xb8;
	[tilespmem:$0x1EF00] =	vst v63  }
0x21: {  	s31 =	simm.s32 $0x14040;
	s0 =	simm.s32 $0x1  }
0x22: {  	[tilespmem:s20], [sflag:$0x2] =	stream.indirect.gather [hbm4b:s4+s17], $0x80, s31, s17, $0xb8;
	[tilespmem:$0x1EF00] =	vst v63  }
0x23: {  	_ =	swait.ge [sflag:s0], $0x2000  }
0x24: {  	[sflag:s0] =	ssyncset.done $0x0  }
0x25: {  	[sflag:s0] =	ssyncadd.s32 $0xFFFFE000  }
0x26: {  	[tilespmem:s22], [sflag:$0x3] =	stream.indirect.gather [hbm4b:s4+s17], $0x80, s21, s17, $0xb8;
	[tilespmem:$0x1EF00] =	vst v63  }
0x27: {  	v0 =	vld [tilespmem:$0x17380];
	_ =	sdelay $0x1  }
0x28: {  	v1 =	vld [tilespmem:$0x17390];
	_ =	sdelay $0x2  }
0x29: {  	v2 =	vunpack.i.l.s16.s32 v0  }
0x2a: {  	v0 =	vunpack.i.u.s16.s32 v0;
	[tilespmem:$0x1ED80] =	vst v2  }
0x2b: {  	v63 =	vunpack.i.l.s16.s32 v1;
	[tilespmem:$0x1ED90] =	vst v0  }
0x2c: {  	s29 =	simm.s32 $0x2;
	s26 =	simm.s32 $0x140C0;
	v1 =	vunpack.i.u.s16.s32 v1;
	[tilespmem:$0x1EDA0] =	vst v63  }
0x2d: {  	s28 =	simm.s32 $0x173B0;
	s25 =	simm.s32 $0x0;
	s30 =	simm.s32 $0x1;
	[tilespmem:$0x1EDB0] =	vst v1  }
0x2e: {  	[spmem:s2] =	stream.indirect.scatter.add.f32 [tilespmem:s18], [sflag:$0x4], $0x80, s23, s17, $0xb8;
	[tilespmem:$0x1EF00] =	vst v63  }
.LBB2_2:
0x2f: {  	s31 =	sadd.s32 $0x1, s0  }
0x30: {  	_ =	swait.ge [sflag:s31], $0x2000  }
0x31: {  	s1 =	smov.u32 s29;
	s29 =	smov.u32 s25;
	[sflag:s31] =	ssyncset.done $0x0  }
0x32: {  	s19 =	sadd.s32 $0x4, s25;
	p0 =	sge.u32 s30, s9;
	[sflag:s31] =	ssyncadd.s32 $0xFFFFE000  }
0x33: {  	s31 =	sshll.u32 @!p0 s29, $0xD;
	_ =	swait.ge [sflag:s19], $0x2000  }
0x34: {  	s14 =	simm.s32 @!p0 $0x40;
	s25 =	sand.u32 @!p0 $0x3FFFE000, s31;
	[sflag:s19] =	ssyncset.done $0x0  }
0x35: {  	s31 =	sadd.s32 @!p0 $0x1, s29;
	s25 =	sadd.s32 @!p0 $0x18D80, s25;
	[sflag:s19] =	ssyncadd.s32 $0xFFFFE000  }
0x36: {  	[tilespmem:s25], [sflag:s31] =	stream.indirect.gather @!p0 [hbm4b:s4+s14], $0x80, s26, s14, $0xb8;
	[tilespmem:$0x1EF00] =	vst v63  }
0x37: {  	v0 =	vld [tilespmem:s28+$0xFFFFFFF0];
	_ =	sdelay $0x3  }
0x38: {  	s25 =	sshll.u32 s0, $0x7  }
0x39: {  	s14 =	sand.u32 $0x3FFFFF80, s25;
	v1 =	vunpack.i.l.s16.s32 v0  }
0x3a: {  	v0 =	vunpack.i.u.s16.s32 v0;
	[tilespmem:s14+$0x1ED80] =	vst v1  }
0x3b: {  	[tilespmem:s14+$0x1ED90] =	vst v0  }
0x3c: {  	v0 =	vld [tilespmem:s28+$0x0];
	_ =	sdelay $0x2  }
0x3d: {  	s30 =	sadd.s32 $0x1, s30  }
0x3e: {  	p0 =	sne.s32 s5, s30  }
.Ltmp0:
0x3f: {  	s19 =	sshll.u32 s0, $0xD;
	v63 =	vunpack.i.l.s16.s32 v0;
	(pc) =	sbr.rel @p0 .LBB2_2-.Ltmp0, $4  }
0x40: {  	s31 =	sadd.s32 $0x4, s0;
	s25 =	sand.u32 $0x3FFFE000, s19;
	v0 =	vunpack.i.u.s16.s32 v0;
	[tilespmem:s14+$0x1EDA0] =	vst v63  }
0x41: {  	s26 =	sadd.s32 $0x40, s26;
	s19 =	sadd.s32 $0x1ED80, s14;
	s25 =	sadd.s32 $0x18D80, s25;
	[tilespmem:s14+$0x1EDB0] =	vst v0  }
0x42: {  	[spmem:s2] =	stream.indirect.scatter.add.f32 [tilespmem:s25], [sflag:s31], $0x80, s19, s17, $0xb8;
	[tilespmem:$0x1EF00] =	vst v63  }
0x43: {  	s28 =	sadd.s32 $0x20, s28;
	s25 =	smov.u32 s0;
	s0 =	smov.u32 s1  }
0x44: {  	_ =	swait.ge [sflag:s31], $0x2000  }
0x45: {  	s24 =	sadd.s32 $0x1, s24;
	[sflag:s31] =	ssyncset.done $0x0  }
0x46: {  	p0 =	sne.s32 s24, s11;
	[sflag:s31] =	ssyncadd.s32 $0xFFFFE000  }
.Ltmp1:
0x47: {  	[bflag:$0x0] =	sbarrier.arrive $0xFFFF;
	(pc) =	sbr.rel @p0 .LBB2_1-.Ltmp1, $4  }
0x48: {  	[hbm:s10], [sflag:s15] =	dma.local [spmem:s16], $0x2800  }
0x49: {  	_ =	swait.ge [sflag:s13], $0x2800  }
0x4a: {  	[sflag:s13] =	ssyncset.done $0x0  }
0x4b: {  	[sflag:s13] =	ssyncadd.s32 $0xFFFFD800  }
0x4c: {  	_ =	sfence.sel $0x180000  }
0x4d: {  	[bflag:$0x0] =	sbarrier.arrive $0xFFFF  }
0x4e: {  	_ =	strace $0x9000004D  }
0x4f: {  	s0 =	stileid.u32;
	[bflag:$0x2] =	sbarrier.arrive $0xFFFF  }
0x50: {  	p0 =	sne.s32 s0, $0x0;
	s0 =	rddreg [dreg:$0x3]  }
0x51: {  	s0 =	sadd.s32 @!p0 $0x100000, s0  }
0x52: {  	[sflag:s0] =	ssyncadd.tile.s32 @!p0 $0x1;
	_ =	shalt  }
.Lfunc_end2:
_tile_overlayer_lowered:
.L_overlay_start_2:
0x53: {  	(tag) =	ssettag $0x2  }
0x54: {  	s0 =	rddreg [dreg:$0x0];
	s2 =	stileid.u32  }
0x55: {  	s1 =	rddreg [dreg:$0x1];
	p0 =	sne.s32 s2, $0x0  }
0x56: {  	s3 =	rddreg [dreg:$0x2];
	[bflag:$0x3] =	sbarrier.arrive $0xFFFF;
	s2 =	simm.s32 @!p0 $0x1C07  }
0x57: {  	[timem:s3], [sflag:s2] =	dma.local @!p0 [hbm:s0], s1  }
0x58: {  	s0 =	simm.s32 @!p0 $0x7  }
0x59: {  	_ =	swait.ge @!p0 [sflag:s0], s1  }
0x5a: {  	s1 =	ssub.s32 @!p0 $0x0, s1;
	[sflag:s0] =	ssyncset.done @!p0 $0x0  }
0x5b: {  	[sflag:s0] =	ssyncadd.s32 @!p0 s1  }
0x5c: {  	[bflag:$0x3] =	sbarrier.arrive $0xFFFF  }
0x5d: {  	_ =	shalt  }

// kernel: kernel.8.cloned.1.call-start
scs
__scs_entry_jumppad:
0x0: {  	(pc) =	sbr.rel $0x88, $3  }
0x1: {  	(tag) =	ssettag $0x0;
	lr =	simm.s32 $0x1  }
0x2: {  	[smem:$0x3F9B] =	sst lr;
	_ =	strace $0xD0000000  }
0x3: {  	_ = 	snop  }
0x4: {  	_ = 	snop  }
0x5: {  	_ = 	snop  }
0x6: {  	_ = 	snop  }
0x7: {  	_ = 	snop  }
__scs_overlays_trampoline_lowered:
0x8: {  	[smem:$0x3FAA] =	sst s0  }
0x9: {  	[smem:$0x3FAB] =	sst s1  }
0xa: {  	[smem:$0x3FAC] =	sst s2  }
0xb: {  	[smem:$0x3FAD] =	sst s3  }
0xc: {  	[smem:$0x3FAE] =	sst s4  }
0xd: {  	[smem:$0x3FAF] =	sst s5  }
0xe: {  	[smem:$0x3FB0] =	sst s6  }
0xf: {  	[smem:$0x3FB1] =	sst s7  }
0x10: {  	[smem:$0x3FB2] =	sst s8  }
0x11: {  	[smem:$0x3FB3] =	sst s9;
	s0 =	simm.s32 @!p0 $0x0  }
0x12: {  	s1 =	sld [smem:$0x3F99];
	s0 =	simm.s32 @p0 $0x1  }
0x13: {  	[smem:$0x3FB4] =	sst s0;
	s0 =	simm.s32 @!p1 $0x0  }
0x14: {  	s2 =	sld [smem:$0x3F98];
	s0 =	simm.s32 @p1 $0x1  }
0x15: {  	[smem:$0x3FB5] =	sst s0;
	s0 =	simm.s32 @!p2 $0x0  }
0x16: {  	s3 =	sld [smem:$0x3FDB];
	s0 =	simm.s32 @p2 $0x1  }
0x17: {  	s4 =	simm.s32 $0x1BF5;
	[smem:$0x3FB7] =	sst s0  }
0x18: {  	s0 =	sld [smem:$0x3F9A];
	_ =	swait.ge [sflag:s4], $0x0  }
0x19: {  	s7 =	sld [smem:$0x3F9B]  }
0x1a: {  	s8 =	sadd.s32 $0xFFFFE003, lr  }
0x1b: {  	s9 =	sadd.s32 $0xFFFFFEF7, lr;
	s5 =	simm.s32 $0xFFFFFFFF;
	p2 =	slt.u32 s8, $0xFFFFF086  }
0x1c: {  	p1 =	slt.u32 s9, $0xF7A;
	s5 =	simm.s32 @!p2 $0x0  }
0x1d: {  	s5 =	simm.s32 @p1 $0x1;
	p0 =	seq.s32 s7, s2  }
0x1e: {  	s7 =	smul.u32 @!p0 $0xF7A, s2;
	p2 =	seq.s32 @!p0 s5, $0x0  }
0x1f: {  	s9 =	smul.u32 $0xF7A, s1;
	s8 =	simm.s32 @!p0 $0x1BF5;
	p2 =	por !p2, p0  }
0x20: {  	[sflag:s8] =	ssyncset.s32 @!p0 $0xFFFFF086;
	s6 =	sadd.s32 @!p0 s3, s7;
	s7 =	simm.s32 @!p0 $0x108  }
0x21: {  	s3 =	sadd.s32 s3, s9;
	s6 =	sadd.s32 @!p0 $0x88, s6;
	s7 =	simm.s32 @p2 $0x1082  }
0x22: {  	[simem:s7], [sflag:s8] =	dma.local @!p0 [hbm:s6], $0xF7A  }
0x23: {  	s9 =	sor.u32 $0xD0000000, s2;
	s6 =	simm.s32 $0x108;
	_ =	swait.ge @!p0 [sflag:s8], $0x0  }
0x24: {  	s3 =	sadd.s32 $0x88, s3;
	s6 =	simm.s32 @!p1 $0x1082;
	[sflag:s4] =	ssyncset.s32 $0xFFFFF086  }
0x25: {  	[simem:s6], [sflag:s4] =	dma.local [hbm:s3], $0xF7A  }
0x26: {  	[smem:$0x3F9B] =	sst s1;
	(tag) =	ssettag s2;
	_ =	strace s9  }
0x27: {  	s1 =	sld [smem:$0x3FAB]  }
0x28: {  	s2 =	sld [smem:$0x3FAC]  }
0x29: {  	s4 =	sld [smem:$0x3FAE]  }
0x2a: {  	p0 =	seq.s32 s5, $0x0;
	s5 =	sld [smem:$0x3FAF]  }
0x2b: {  	s6 =	sld [smem:$0x3FB0]  }
0x2c: {  	s7 =	sld [smem:$0x3FB1]  }
0x2d: {  	s3 =	simm.s32 $0x108;
	s8 =	sld [smem:$0x3FB2]  }
0x2e: {  	s3 =	simm.s32 @!p0 $0x1082;
	s9 =	sld [smem:$0x3FB3]  }
0x2f: {  	lr =	sadd.s32 s0, s3;
	s0 =	sld [smem:$0x3FAA]  }
0x30: {  	s3 =	sld [smem:$0x3FAD]  }
0x31: {  	[smem:$0x3FB6] =	sst s10  }
0x32: {  	s10 =	sld [smem:$0x3FB4];
	_ =	sdelay $0x3  }
0x33: {  	p0 =	seq.s32 s10, $0x1;
	s10 =	sld [smem:$0x3FB6];
	_ =	sdelay $0x3  }
0x34: {  	[smem:$0x3FB6] =	sst s10  }
0x35: {  	s10 =	sld [smem:$0x3FB5];
	_ =	sdelay $0x3  }
0x36: {  	p1 =	seq.s32 s10, $0x1;
	s10 =	sld [smem:$0x3FB6];
	_ =	sdelay $0x3  }
0x37: {  	[smem:$0x3FB6] =	sst s10  }
0x38: {  	s10 =	sld [smem:$0x3FB7]  }
0x39: {  	_ = 	snop;
	(pc) =	sbr.ind lr, $3  }
0x3a: {  	_ = 	snop  }
0x3b: {  	_ = 	snop  }
0x3c: {  	p2 =	seq.s32 s10, $0x1;
	s10 =	sld [smem:$0x3FB6]  }
0x3d: {  	_ =	shalt  }
0x3e: {  	_ =	shalt  }
0x3f: {  	_ =	shalt  }
0x40: {  	_ =	shalt  }
0x41: {  	_ =	shalt  }
0x42: {  	_ =	shalt  }
0x43: {  	_ =	shalt  }
0x44: {  	_ =	shalt  }
0x45: {  	_ =	shalt  }
0x46: {  	_ =	shalt  }
0x47: {  	_ =	shalt  }
0x48: {  	_ =	shalt  }
0x49: {  	_ =	shalt  }
0x4a: {  	_ =	shalt  }
0x4b: {  	_ =	shalt  }
0x4c: {  	_ =	shalt  }
0x4d: {  	_ =	shalt  }
0x4e: {  	_ =	shalt  }
0x4f: {  	_ =	shalt  }
0x50: {  	_ =	shalt  }
0x51: {  	_ =	shalt  }
0x52: {  	_ =	shalt  }
0x53: {  	_ =	shalt  }
0x54: {  	_ =	shalt  }
0x55: {  	_ =	shalt  }
0x56: {  	_ =	shalt  }
0x57: {  	_ =	shalt  }
0x58: {  	_ =	shalt  }
0x59: {  	_ =	shalt  }
0x5a: {  	_ =	shalt  }
0x5b: {  	_ =	shalt  }
0x5c: {  	_ =	shalt  }
0x5d: {  	_ =	shalt  }
0x5e: {  	_ =	shalt  }
0x5f: {  	_ =	shalt  }
0x60: {  	_ =	shalt  }
0x61: {  	_ =	shalt  }
0x62: {  	_ =	shalt  }
0x63: {  	_ =	shalt  }
0x64: {  	_ =	shalt  }
0x65: {  	_ =	shalt  }
0x66: {  	_ =	shalt  }
0x67: {  	_ =	shalt  }
0x68: {  	_ =	shalt  }
0x69: {  	_ =	shalt  }
0x6a: {  	_ =	shalt  }
0x6b: {  	_ =	shalt  }
0x6c: {  	_ =	shalt  }
0x6d: {  	_ =	shalt  }
0x6e: {  	_ =	shalt  }
0x6f: {  	_ =	shalt  }
0x70: {  	_ =	shalt  }
0x71: {  	_ =	shalt  }
0x72: {  	_ =	shalt  }
0x73: {  	_ =	shalt  }
0x74: {  	_ =	shalt  }
0x75: {  	_ =	shalt  }
0x76: {  	_ =	shalt  }
0x77: {  	_ =	shalt  }
0x78: {  	_ =	shalt  }
0x79: {  	_ =	shalt  }
0x7a: {  	_ =	shalt  }
0x7b: {  	_ =	shalt  }
0x7c: {  	_ =	shalt  }
0x7d: {  	_ =	shalt  }
0x7e: {  	_ =	shalt  }
0x7f: {  	_ =	shalt  }
0x80: {  	_ =	shalt  }
0x81: {  	_ =	shalt  }
0x82: {  	_ =	shalt  }
0x83: {  	_ =	shalt  }
0x84: {  	_ =	shalt  }
0x85: {  	_ =	shalt  }
0x86: {  	_ =	shalt  }
0x87: {  	_ =	shalt  }
.Lfunc_end0:
.L_simem_size_0:
called_computation_lowered:
.L_overlay_start_0:
0x88: {  	s2 =	sld [smem:$0x3FD9]  }
0x89: {  	s3 =	sld [smem:$0x3FFE];
	_ =	sdelay $0x1  }
0x8a: {  	s1 =	srdreg.scid  }
0x8b: {  	s0 =	sand.u32 $0x1, s1  }
0x8c: {  	s16 =	sshll.u32 s0, $0xA;
	s2 =	sadd.s32 s3, s2  }
0x8d: {  	s2 =	sadd.s32 s2, s16  }
0x8e: {  	[smem:$0x3FC2] =	sst s2  }
0x8f: {  	_ = 	snop  }
0x90: {  	(tm) =	ssettm $0x1  }
0x91: {  	s17 =	sld [smem:$0x3FFB];
	_ =	sdelay $0x3  }
0x92: {  	_ =	strace s17  }
0x93: {  	s2 =	sld [smem:$0x3FFC];
	_ =	sdelay $0x3  }
0x94: {  	_ =	strace s2  }
0x95: {  	s2 =	sld [smem:$0x3FFD];
	_ =	sdelay $0x3  }
0x96: {  	_ =	strace s2  }
0x97: {  	_ =	strace $0x8FFFFFFF  }
0x98: {  	s18 =	sld [smem:$0x3FDB];
	_ =	sdelay $0x1  }
0x99: {  	s19 =	simm.s32 $_scs_section_size  }
0x9a: {  	s4 =	simm.s32 $_size__tile_overlayer_lowered;
	s5 =	simm.s32 $_tile_overlayer_lowered  }
0x9b: {  	s22 =	simm.s32 $0x1BFF;
	s21 =	sshll.u32 s5, $0x1;
	s2 =	sadd.s32 s19, s18  }
0x9c: {  	s6 =	simm.s32 $0x0;
	s20 =	sshll.u32 s4, $0x1;
	s4 =	sadd.s32 s21, s2  }
0x9d: {  	[timem:s6], [sflag:s22] =	dma.local [hbm:s4], s20  }
0x9e: {  	_ =	swait.ge [sflag:s22], s20  }
0x9f: {  	s3 =	ssub.s32 $0x0, s20;
	[sflag:s22] =	ssyncset.done $0x0  }
0xa0: {  	[sflag:s22] =	ssyncadd.s32 s3;
	_ =	sdelay $0x1  }
0xa1: {  	s23 =	simm.s32 $0x1B8B  }
0xa2: {  	_ =	swait.ge [sflag:s23], $0x1  }
0xa3: {  	[sflag:s23] =	ssyncset.done $0x0  }
0xa4: {  	s25 =	simm.s32 $0x1B8E;
	s24 =	sld [smem:$0x3FFE];
	[sflag:s23] =	ssyncadd.s32 $0xFFFFFFFF  }
0xa5: {  	s26 =	simm.s32 $execute0_lowered;
	[smem:$0x3FD2] =	sst s25  }
0xa6: {  	s4 =	sshll.u32 s26, $0x1;
	_ =	strace $0x80000046;
	[dreg:$0x1] =	wrdreg $0xFFFFFFFF  }
0xa7: {  	s28 =	simm.s32 $_size_execute0_lowered;
	s2 =	sadd.s32 s2, s4;
	[dreg:$0x0] =	wrdreg $0x0  }
0xa8: {  	s4 =	sshll.u32 s28, $0x1;
	[dreg:$0x2] =	wrdreg s2  }
0xa9: {  	[dreg:$0x3] =	wrdreg s4  }
0xaa: {  	[dreg:$0x4] =	wrdreg $0xC0  }
0xab: {  	_ =	task [dreg:s6], $0x5FFFF  }
0xac: {  	[dreg:$0x1] =	wrdreg $0xFFFFFFFF  }
0xad: {  	[dreg:$0x0] =	wrdreg $0x60  }
0xae: {  	[dreg:$0x2] =	wrdreg s24  }
0xaf: {  	[dreg:$0x3] =	wrdreg $0x9  }
0xb0: {  	_ =	task.clear_ibuf [dreg:s6], $0x4FFFF;
	_ =	strace $0x90000046  }
0xb1: {  	s29 =	simm.s32 $0x9;
	_ =	strace $0x80000048  }
0xb2: {  	_ =	swait.ge [sflag:s29], $0x1  }
0xb3: {  	[sflag:s29] =	ssyncadd.s32 $0xFFFFFFFF  }
0xb4: {  	_ =	strace $0x90000048  }
0xb5: {  	_ =	sfence  }
0xb6: {  	s30 =	sld [smem:$0x0];
	_ =	sdelay $0x2  }
0xb7: {  	s31 =	sshll.u32 s1, $0xD;
	s1 =	sshrl.u32 s1, $0x2  }
0xb8: {  	s3 =	sand.u32 $0x4000, s31;
	s1 =	sadd.s32 s1, s30  }
0xb9: {  	s0 =	sor.u32 s3, s0;
	s1 =	sshll.u32 s1, $0x11  }
0xba: {  	s0 =	sor.u32 s1, s0  }
0xbb: {  	s0 =	sadd.s32 $0x8F2B, s0  }
0xbc: {  	[sflag:s0] =	ssyncadd.remote.s32 $0x1  }
0xbd: {  	_ =	sfence.sel $0xFFFF  }
0xbe: {  	[dreg:$0x0] =	wrdreg $0xFFFFFFFF;
	(pc) =	sbr.abs _section_cstart, $3  }
0xbf: {  	[dreg:$0x1] =	wrdreg $0xFFFFFFFF  }
0xc0: {  	_ =	task.clear_ibuf [dreg:s6], $0x2FFFF;
	_ =	strace $0x9FFFFFFF  }
0xc1: {  	(tm) =	ssettm $0x7FFFFFFF  }
tec
execute0_lowered:
.L_overlay_start_1:
0x0: {  	(tag) =	ssettag $0x1  }
0x1: {  	s1 =	srdreg.scid;
	s0 =	stileid.u32  }
0x2: {  	s3 =	rddreg [dreg:$0x0];
	s8 =	simm.s32 $0x80;
	s9 =	simm.s32 $0x400  }
0x3: {  	s4 =	sand.u32 $0x1, s1;
	s2 =	sshll.u32 s0, $0x1;
	s1 =	rddreg [dreg:$0x1]  }
0x4: {  	s6 =	sshrl.u32 s0, $0x2;
	s5 =	sor.u32 s4, s2;
	s2 =	simm.s32 $0x0  }
0x5: {  	s6 =	smul.u32 $0x14000, s6;
	s4 =	ssub.s32 $0x2, s4;
	s7 =	sshll.u32 s5, $0x7  }
0x6: {  	[smem:$0x7FF] =	sst s2;
	s5 =	smul.u32 $0x4E2, s5;
	s7 =	sand.u32 $0x380, s7  }
0x7: {  	s31 =	sshrl.u32 s4, $0x1;
	_ =	strace $0x80000047;
	s6 =	sor.u32 s6, s7  }
0x8: {  	s5 =	sadd.s32 s5, s3;
	s7 =	ssub.s32 s4, s31;
	s6 =	sshrl.u32 s6, $0x3  }
0x9: {  	s6 =	sadd.s32 s6, s3;
	s3 =	sadd.s32 $0x2800, s5;
	s5 =	smax.u32 s7, $0x1  }
0xa: {  	v0 =	vimm.f32 $0.0e+00;
	v1 =	vimm.f32 $1.000000000e+00;
	s7 =	simm.s32 $0x2780;
	s4 =	sadd.s32 $0xC600, s6;
	s6 =	simm.s32 $0x1  }
.LBB2_1:
0xb: {  	s10 =	simm.s32 $0x40;
	s11 =	simm.s32 $0x0  }
.LBB2_2:
0xc: {  	p0 =	sne.s32 s10, $0x9FC0;
	[tilespmem:s11+$0x2780] =	vst v0;
	s11 =	smov.u32 s10;
	s10 =	sadd.s32 $0x40, s10  }
.Ltmp0:
0xd: {  	(pc) =	sbr.rel @p0 .LBB2_2-.Ltmp0, $2  }
0xe: {  	_ =	sdelay $0x2  }
0xf: {  	s11 =	sshra.s32 s11, $0x2  }
0x10: {  	[tilespmem:s11+$0x2780] =	vst v0;
	s10 =	simm.s32 $0x0  }
0x11: {  	[tilespmem:s10], [sflag:$0x1] =	stream.linear.gather [hbm4b:s3+s10], $0x2710, $0x38;
	[tilespmem:$0x4F80] =	vst v63  }
0x12: {  	_ =	swait.ge [sflag:s6], $0x2710  }
0x13: {  	[sflag:s6] =	ssyncset.done $0x0  }
0x14: {  	s11 =	simm.s32 $0x0;
	s10 =	simm.s32 $0x40;
	[sflag:s6] =	ssyncadd.s32 $0xFFFFD8F0  }
.LBB2_4:
0x15: {  	p0 =	sne.s32 s10, $0x9C00;
	v2 =	vld [tilespmem:s11+$0x0];
	_ =	sdelay $0x3  }
.Ltmp1:
0x16: {  	(pc) =	sbr.rel @p0 .LBB2_4-.Ltmp1, $2  }
0x17: {  	_ =	sdelay $0x2  }
0x18: {  	s11 =	sshra.s32 s10, $0x2;
	s10 =	sadd.s32 $0x40, s10;
	[tilespmem:v2+s7+$0x0] =	vst.idx.add.f32.msk $0xffff, v1  }
0x19: {  	v2 =	vld [tilespmem:s11+$0x0];
	_ =	sdelay $0x5  }
0x1a: {  	s2 =	sadd.s32 $0x1, s2  }
0x1b: {  	p0 =	sne.s32 s2, s5  }
.Ltmp2:
0x1c: {  	[tilespmem:v2+s7+$0x0] =	vst.idx.add.f32.msk $0xffff, v1;
	(pc) =	sbr.rel @p0 .LBB2_1-.Ltmp2, $4  }
0x1d: {  	[hbm4b:s4+s8] =	stream.strided.scatter [tilespmem:s7], [sflag:$0x1], $0x2800, s9, s8, $0x38;
	[tilespmem:$0x4F80] =	vst v63  }
0x1e: {  	_ =	swait.ge [sflag:s6], $0x2800  }
0x1f: {  	[sflag:s6] =	ssyncset.done $0x0  }
0x20: {  	[sflag:s6] =	ssyncadd.s32 $0xFFFFD800  }
0x21: {  	_ =	sfence.sel $0x180000  }
0x22: {  	[bflag:$0x0] =	sbarrier.arrive $0xFFFF  }
0x23: {  	p0 =	sne.s32 s0, $0x0;
	_ =	strace $0x90000047  }
0x24: {  	s0 =	sadd.s32 @!p0 $0x100000, s1;
	[bflag:$0x2] =	sbarrier.arrive $0xFFFF  }
0x25: {  	[sflag:s0] =	ssyncadd.tile.s32 @!p0 $0x1;
	_ =	shalt  }
.Lfunc_end2:
_tile_overlayer_lowered:
.L_overlay_start_2:
0x26: {  	(tag) =	ssettag $0x2  }
0x27: {  	s0 =	rddreg [dreg:$0x0];
	s2 =	stileid.u32  }
0x28: {  	s1 =	rddreg [dreg:$0x1];
	p0 =	sne.s32 s2, $0x0  }
0x29: {  	s3 =	rddreg [dreg:$0x2];
	[bflag:$0x3] =	sbarrier.arrive $0xFFFF;
	s2 =	simm.s32 @!p0 $0x1C01  }
0x2a: {  	[timem:s3], [sflag:s2] =	dma.local @!p0 [hbm:s0], s1  }
0x2b: {  	s0 =	simm.s32 @!p0 $0x1  }
0x2c: {  	_ =	swait.ge @!p0 [sflag:s0], s1  }
0x2d: {  	s1 =	ssub.s32 @!p0 $0x0, s1;
	[sflag:s0] =	ssyncset.done @!p0 $0x0  }
0x2e: {  	[sflag:s0] =	ssyncadd.s32 @!p0 s1  }
0x2f: {  	[bflag:$0x3] =	sbarrier.arrive $0xFFFF  }
0x30: {  	_ =	shalt  }

</sc_bundles>
